<compile_context>
chip_gen: v7x
topology: tpu7x:2x2x1
jax: 0.10.2.dev20260603
libtpu: 0.0.44.dev20260713+nightly
codegen_flags: <defaults>
</compile_context>

<pallas_src>
import functools

import jax
import jax.numpy as jnp
from jax import lax
from jax.experimental import pallas as pl
from jax.experimental.pallas import tpu as pltpu
from jax.experimental.pallas import tpu_sc as plsc

NC = 2
NS = 16
NW = NC * NS

CTOK = 256
PAD_D = 128
TBLK = 12288


def _tc_transpose_body(wt_ref, out_ref):
    out_ref[:, 0:64] = wt_ref[...].T


def _tc_transpose(wt):
    d, v = wt.shape
    grid = (v + TBLK - 1) // TBLK
    return pl.pallas_call(
        _tc_transpose_body,
        out_shape=jax.ShapeDtypeStruct((v, PAD_D), jnp.float32),
        grid=(grid,),
        in_specs=[pl.BlockSpec((d, TBLK), lambda i: (0, i))],
        out_specs=pl.BlockSpec((TBLK, PAD_D), lambda i: (i, 0)),
    )(wt)


def _gather_body(
    idx_hbm, pad_hbm, out_hbm, idx_v, rows_v,
    sem0, sem1, isem0, isem1, ssem0, ssem1,
):
    n_idx_rows = idx_hbm.shape[0]
    wid = lax.axis_index("s") * NC + lax.axis_index("c")
    rows_per_w = n_idx_rows // NW
    iters = rows_per_w // 2
    r_lo = wid * rows_per_w
    sems = (sem0, sem1)
    isems = (isem0, isem1)
    ssems = (ssem0, ssem1)

    def issue_idx(g, b):
        pltpu.async_copy(
            idx_hbm.at[pl.ds(r_lo + g * 2, 2)], idx_v.at[b], isems[b]
        )

    def wait_idx(g, b):
        pltpu.make_async_copy(
            idx_hbm.at[pl.ds(r_lo + g * 2, 2)], idx_v.at[b], isems[b]
        ).wait()

    def fire(g, b):
        for i in range(2):
            pltpu.async_copy(
                pad_hbm.at[idx_v.at[b].at[i]],
                rows_v.at[b].at[pl.ds(i * 128, 128)],
                sems[b],
            )

    def drain(b):
        for i in range(2):
            pltpu.make_async_copy(
                pad_hbm.at[idx_v.at[b].at[i]],
                rows_v.at[b].at[pl.ds(i * 128, 128)],
                sems[b],
            ).wait()

    def store_desc(g, b):
        return pltpu.make_async_copy(
            rows_v.at[b],
            out_hbm.at[pl.ds((r_lo + g * 2) * 128, CTOK)],
            ssems[b],
        )

    issue_idx(0, 0)
    wait_idx(0, 0)
    fire(0, 0)
    issue_idx(1, 1)

    def step(g2, carry):
        for b in range(2):
            g = g2 * 2 + b
            nxt = 1 - b

            @pl.when(g + 1 < iters)
            def _():
                wait_idx(g + 1, nxt)
                @pl.when(g >= 1)
                def _():
                    store_desc(g - 1, nxt).wait()

                fire(g + 1, nxt)

            drain(b)
            @pl.when(g + 2 < iters)
            def _():
                issue_idx(g + 2, b)

            pltpu.async_copy(
                rows_v.at[b],
                out_hbm.at[pl.ds((r_lo + g * 2) * 128, CTOK)],
                ssems[b],
            )
        return carry

    lax.fori_loop(0, iters // 2, step, 0)
    store_desc(iters - 2, 0).wait()
    store_desc(iters - 1, 1).wait()


def _gather_call(idx2d, pad_table):
    n_tok = idx2d.shape[0] * idx2d.shape[1]
    mesh = plsc.VectorSubcoreMesh(
        core_axis_name="c", subcore_axis_name="s", num_cores=NC, num_subcores=NS
    )
    return pl.kernel(
        _gather_body,
        out_type=jax.ShapeDtypeStruct((n_tok, PAD_D), jnp.float32),
        mesh=mesh,
        scratch_types=[
            pltpu.VMEM((2, 2, 128), jnp.int32),
            pltpu.VMEM((2, CTOK, PAD_D), jnp.float32),
            pltpu.SemaphoreType.DMA,
            pltpu.SemaphoreType.DMA,
            pltpu.SemaphoreType.DMA,
            pltpu.SemaphoreType.DMA,
            pltpu.SemaphoreType.DMA,
            pltpu.SemaphoreType.DMA,
        ],
        compiler_params=pltpu.CompilerParams(
            use_tc_tiling_on_sc=True, needs_layout_passes=False
        ),
    )(idx2d, pad_table)


def kernel(token_ids, weight):
    b, l = token_ids.shape
    wt = weight.T
    pad_table = _tc_transpose(wt)
    idx2d = token_ids.astype(jnp.int32).reshape(b * l // 128, 128)
    o128 = _gather_call(idx2d, pad_table)
    return o128[:, :64].reshape(b, l, 64)

# --- scband reference (transcript-rebuilt; emitter-appended) ---
"""Pipeline reference for scband-embedding-4088808866270 (READ-ONLY COPY).

The authoritative reference and input builder live on the scoring server;
editing this copy changes nothing except your own understanding.
"""

import jax, jax.numpy as jnp
import numpy as np

VOCAB = 1000000
D_MODEL = 64
B = 4096
L = 200

def _trunc_normal(key, shape, std=1.0, a=-3.0, b=3.0):
    # truncated normal in [a*std, b*std] with given std (approximation consistent with torch trunc_normal_)
    u = jax.random.truncated_normal(key, a, b, shape, dtype=jnp.float32)
    return u * std

def setup_inputs(seed: int = 0) -> dict:
    key = jax.random.key(seed)
    k_idx, k_w = jax.random.split(key)
    token_ids = jax.random.randint(k_idx, (B, L), 0, VOCAB, dtype=jnp.int64 if jax.config.jax_enable_x64 else jnp.int32)
    weight = _trunc_normal(k_w, (VOCAB, D_MODEL), std=1.0)
    return {"token_ids": token_ids, "weight": weight}

def reference(token_ids, weight):
    # Faithful to: return self.weight[token_ids, :]
    return jnp.take(weight, token_ids, axis=0)

if __name__ == "__main__":
    import jax
    _d = setup_inputs()
    print(jax.jit(kernel)(*tuple(_d.values())))

</pallas_src>

<mosaic_0001>
#map = affine_map<(d0, d1) -> (0, 0)>
module attributes {stable_mosaic.version = 14 : i64} {
  func.func @_gather_body(%arg0: i32, %arg1: i32, %arg2: memref<6400x128xi32, #tpu.memory_space<hbm>>, %arg3: memref<1000000x128xf32, #tpu.memory_space<hbm>>, %arg4: memref<819200x128xf32, #tpu.memory_space<hbm>>, %arg5: memref<2x2x128xi32, #tpu.memory_space<vmem>>, %arg6: memref<2x256x128xf32, #tpu.memory_space<vmem>>, %arg7: memref<!tpu.dma_semaphore, #tpu.memory_space<semaphore_mem>>, %arg8: memref<!tpu.dma_semaphore, #tpu.memory_space<semaphore_mem>>, %arg9: memref<!tpu.dma_semaphore, #tpu.memory_space<semaphore_mem>>, %arg10: memref<!tpu.dma_semaphore, #tpu.memory_space<semaphore_mem>>, %arg11: memref<!tpu.dma_semaphore, #tpu.memory_space<semaphore_mem>>, %arg12: memref<!tpu.dma_semaphore, #tpu.memory_space<semaphore_mem>>) attributes {dimension_semantics = [#tpu.dimension_semantics<core_parallel>, #tpu.dimension_semantics<subcore_parallel>], iteration_bounds = array<i64: 2, 16>, scalar_prefetch = 0 : i64, scratch_operands = 8 : i64, tpu.core_type = #tpu.core_type<sc_vector_subcore>, window_params = [{transform_indices = #map}, {transform_indices = #map}, {transform_indices = #map}]} {
    %mul3A = arith.constant 2 : i32
    %mul3A_0 = arith.muli %arg1, %mul3A : i32
    %add3A = arith.addi %mul3A_0, %arg0 : i32
    %mul3A_1 = arith.constant 200 : i32
    %mul3A_2 = arith.muli %add3A, %mul3A_1 : i32
    %add3A_3 = arith.constant 0 : i32
    %add3A_4 = arith.addi %mul3A_2, %add3A_3 : i32
    %dma_start3A = arith.constant 0 : i32
    %dma_start3A_5 = arith.constant 0 : i32
    %dma_start3A_6 = arith.constant 0 : i32
    %dma_start3A_7 = tpu.memref_slice %arg5[%dma_start3A, %dma_start3A_5, %dma_start3A_6] : memref<2x2x128xi32, #tpu.memory_space<vmem>> -> memref<1x2x128xi32, #tpu.memory_space<vmem>>
    %dma_start3A_8 = tpu.memref_squeeze %dma_start3A_7 : memref<1x2x128xi32, #tpu.memory_space<vmem>> -> memref<2x128xi32, #tpu.memory_space<vmem>>
    %dma_start3A_9 = arith.constant 0 : i32
    %dma_start3A_10 = tpu.memref_slice %arg2[%add3A_4, %dma_start3A_9] : memref<6400x128xi32, #tpu.memory_space<hbm>> -> memref<2x128xi32, #tpu.memory_space<hbm>>
    %dma_start3A_11 = arith.constant 0 : i32
    %dma_start3A_12 = arith.constant 0 : i32
    %dma_start3A_13 = tpu.memref_slice %arg5[%dma_start3A, %dma_start3A_11, %dma_start3A_12] : memref<2x2x128xi32, #tpu.memory_space<vmem>> -> memref<1x2x128xi32, #tpu.memory_space<vmem>>
    %dma_start3A_14 = tpu.memref_squeeze %dma_start3A_13 : memref<1x2x128xi32, #tpu.memory_space<vmem>> -> memref<2x128xi32, #tpu.memory_space<vmem>>
    %dma_start3A_15 = arith.constant 0 : i32
    %dma_start3A_16 = tpu.memref_slice %arg2[%add3A_4, %dma_start3A_15] : memref<6400x128xi32, #tpu.memory_space<hbm>> -> memref<2x128xi32, #tpu.memory_space<hbm>>
    tpu.enqueue_dma source(%dma_start3A_16 : memref<2x128xi32, #tpu.memory_space<hbm>>) target(%dma_start3A_14 : memref<2x128xi32, #tpu.memory_space<vmem>>) target_semaphore(%arg9 : memref<!tpu.dma_semaphore, #tpu.memory_space<semaphore_mem>>)
    %add3A_17 = arith.constant 0 : i32
    %add3A_18 = arith.addi %mul3A_2, %add3A_17 : i32
    %dma_wait3A = arith.constant 0 : i32
    %dma_wait3A_19 = arith.constant 0 : i32
    %dma_wait3A_20 = arith.constant 0 : i32
    %dma_wait3A_21 = tpu.memref_slice %arg5[%dma_wait3A, %dma_wait3A_19, %dma_wait3A_20] : memref<2x2x128xi32, #tpu.memory_space<vmem>> -> memref<1x2x128xi32, #tpu.memory_space<vmem>>
    %dma_wait3A_22 = tpu.memref_squeeze %dma_wait3A_21 : memref<1x2x128xi32, #tpu.memory_space<vmem>> -> memref<2x128xi32, #tpu.memory_space<vmem>>
    %dma_wait3A_23 = arith.constant 0 : i32
    %dma_wait3A_24 = tpu.memref_slice %arg2[%add3A_18, %dma_wait3A_23] : memref<6400x128xi32, #tpu.memory_space<hbm>> -> memref<2x128xi32, #tpu.memory_space<hbm>>
    %dma_wait3A_25 = arith.constant 0 : i32
    %dma_wait3A_26 = arith.constant 0 : i32
    %dma_wait3A_27 = tpu.memref_slice %arg5[%dma_wait3A, %dma_wait3A_25, %dma_wait3A_26] : memref<2x2x128xi32, #tpu.memory_space<vmem>> -> memref<1x2x128xi32, #tpu.memory_space<vmem>>
    %dma_wait3A_28 = tpu.memref_squeeze %dma_wait3A_27 : memref<1x2x128xi32, #tpu.memory_space<vmem>> -> memref<2x128xi32, #tpu.memory_space<vmem>>
    %dma_wait3A_29 = arith.constant 0 : i32
    %dma_wait3A_30 = tpu.memref_slice %arg2[%add3A_18, %dma_wait3A_29] : memref<6400x128xi32, #tpu.memory_space<hbm>> -> memref<2x128xi32, #tpu.memory_space<hbm>>
    tpu.wait_dma2 semaphore(%arg9 : memref<!tpu.dma_semaphore, #tpu.memory_space<semaphore_mem>>) src(%dma_wait3A_30 : memref<2x128xi32, #tpu.memory_space<hbm>>) dst(%dma_wait3A_28 : memref<2x128xi32, #tpu.memory_space<vmem>>)
    %dma_start3A_31 = arith.constant 0 : i32
    %dma_start3A_32 = arith.constant 0 : i32
    %dma_start3A_33 = arith.constant 0 : i32
    %dma_start3A_34 = arith.constant 0 : i32
    %dma_start3A_35 = arith.constant 0 : i32
    %dma_start3A_36 = tpu.memref_slice %arg6[%dma_start3A_33, %dma_start3A_34, %dma_start3A_35] : memref<2x256x128xf32, #tpu.memory_space<vmem>> -> memref<1x256x128xf32, #tpu.memory_space<vmem>>
    %dma_start3A_37 = tpu.memref_squeeze %dma_start3A_36 : memref<1x256x128xf32, #tpu.memory_space<vmem>> -> memref<256x128xf32, #tpu.memory_space<vmem>>
    %dma_start3A_38 = arith.constant 0 : i32
    %dma_start3A_39 = arith.constant 0 : i32
    %dma_start3A_40 = tpu.memref_slice %dma_start3A_37[%dma_start3A_38, %dma_start3A_39] : memref<256x128xf32, #tpu.memory_space<vmem>> -> memref<128x128xf32, #tpu.memory_space<vmem>>
    %dma_start3A_41 = arith.constant 0 : i32
    %dma_start3A_42 = arith.constant 0 : i32
    %dma_start3A_43 = tpu.memref_slice %arg5[%dma_start3A_31, %dma_start3A_41, %dma_start3A_42] : memref<2x2x128xi32, #tpu.memory_space<vmem>> -> memref<1x2x128xi32, #tpu.memory_space<vmem>>
    %dma_start3A_44 = tpu.memref_squeeze %dma_start3A_43 : memref<1x2x128xi32, #tpu.memory_space<vmem>> -> memref<2x128xi32, #tpu.memory_space<vmem>>
    %dma_start3A_45 = arith.constant 0 : i32
    %dma_start3A_46 = tpu.memref_slice %dma_start3A_44[%dma_start3A_32, %dma_start3A_45] : memref<2x128xi32, #tpu.memory_space<vmem>> -> memref<1x128xi32, #tpu.memory_space<vmem>>
    %dma_start3A_47 = tpu.memref_squeeze %dma_start3A_46 : memref<1x128xi32, #tpu.memory_space<vmem>> -> memref<128xi32, #tpu.memory_space<vmem>>
    %dma_start3A_48 = arith.constant 0 : i32
    %dma_start3A_49 = arith.constant 0 : i32
    %dma_start3A_50 = tpu.memref_slice %arg3[%dma_start3A_48, %dma_start3A_49] : memref<1000000x128xf32, #tpu.memory_space<hbm>> -> memref<1000000x128xf32, #tpu.memory_space<hbm>>
    tpu.enqueue_indirect_dma source(%dma_start3A_50 : memref<1000000x128xf32, #tpu.memory_space<hbm>>) target(%dma_start3A_40 : memref<128x128xf32, #tpu.memory_space<vmem>>) offsets(%dma_start3A_47 : memref<128xi32, #tpu.memory_space<vmem>>) semaphore(%arg7 : memref<!tpu.dma_semaphore, #tpu.memory_space<semaphore_mem>>)
    %dma_start3A_51 = arith.constant 0 : i32
    %dma_start3A_52 = arith.constant 1 : i32
    %dma_start3A_53 = arith.constant 0 : i32
    %dma_start3A_54 = arith.constant 0 : i32
    %dma_start3A_55 = arith.constant 0 : i32
    %dma_start3A_56 = tpu.memref_slice %arg6[%dma_start3A_53, %dma_start3A_54, %dma_start3A_55] : memref<2x256x128xf32, #tpu.memory_space<vmem>> -> memref<1x256x128xf32, #tpu.memory_space<vmem>>
    %dma_start3A_57 = tpu.memref_squeeze %dma_start3A_56 : memref<1x256x128xf32, #tpu.memory_space<vmem>> -> memref<256x128xf32, #tpu.memory_space<vmem>>
    %dma_start3A_58 = arith.constant 128 : i32
    %dma_start3A_59 = arith.constant 0 : i32
    %dma_start3A_60 = tpu.memref_slice %dma_start3A_57[%dma_start3A_58, %dma_start3A_59] : memref<256x128xf32, #tpu.memory_space<vmem>> -> memref<128x128xf32, #tpu.memory_space<vmem>>
    %dma_start3A_61 = arith.constant 0 : i32
    %dma_start3A_62 = arith.constant 0 : i32
    %dma_start3A_63 = tpu.memref_slice %arg5[%dma_start3A_51, %dma_start3A_61, %dma_start3A_62] : memref<2x2x128xi32, #tpu.memory_space<vmem>> -> memref<1x2x128xi32, #tpu.memory_space<vmem>>
    %dma_start3A_64 = tpu.memref_squeeze %dma_start3A_63 : memref<1x2x128xi32, #tpu.memory_space<vmem>> -> memref<2x128xi32, #tpu.memory_space<vmem>>
    %dma_start3A_65 = arith.constant 0 : i32
    %dma_start3A_66 = tpu.memref_slice %dma_start3A_64[%dma_start3A_52, %dma_start3A_65] : memref<2x128xi32, #tpu.memory_space<vmem>> -> memref<1x128xi32, #tpu.memory_space<vmem>>
    %dma_start3A_67 = tpu.memref_squeeze %dma_start3A_66 : memref<1x128xi32, #tpu.memory_space<vmem>> -> memref<128xi32, #tpu.memory_space<vmem>>
    %dma_start3A_68 = arith.constant 0 : i32
    %dma_start3A_69 = arith.constant 0 : i32
    %dma_start3A_70 = tpu.memref_slice %arg3[%dma_start3A_68, %dma_start3A_69] : memref<1000000x128xf32, #tpu.memory_space<hbm>> -> memref<1000000x128xf32, #tpu.memory_space<hbm>>
    tpu.enqueue_indirect_dma source(%dma_start3A_70 : memref<1000000x128xf32, #tpu.memory_space<hbm>>) target(%dma_start3A_60 : memref<128x128xf32, #tpu.memory_space<vmem>>) offsets(%dma_start3A_67 : memref<128xi32, #tpu.memory_space<vmem>>) semaphore(%arg7 : memref<!tpu.dma_semaphore, #tpu.memory_space<semaphore_mem>>)
    %add3A_71 = arith.constant 2 : i32
    %add3A_72 = arith.addi %mul3A_2, %add3A_71 : i32
    %dma_start3A_73 = arith.constant 1 : i32
    %dma_start3A_74 = arith.constant 0 : i32
    %dma_start3A_75 = arith.constant 0 : i32
    %dma_start3A_76 = tpu.memref_slice %arg5[%dma_start3A_73, %dma_start3A_74, %dma_start3A_75] : memref<2x2x128xi32, #tpu.memory_space<vmem>> -> memref<1x2x128xi32, #tpu.memory_space<vmem>>
    %dma_start3A_77 = tpu.memref_squeeze %dma_start3A_76 : memref<1x2x128xi32, #tpu.memory_space<vmem>> -> memref<2x128xi32, #tpu.memory_space<vmem>>
    %dma_start3A_78 = arith.constant 0 : i32
    %dma_start3A_79 = tpu.memref_slice %arg2[%add3A_72, %dma_start3A_78] : memref<6400x128xi32, #tpu.memory_space<hbm>> -> memref<2x128xi32, #tpu.memory_space<hbm>>
    %dma_start3A_80 = arith.constant 0 : i32
    %dma_start3A_81 = arith.constant 0 : i32
    %dma_start3A_82 = tpu.memref_slice %arg5[%dma_start3A_73, %dma_start3A_80, %dma_start3A_81] : memref<2x2x128xi32, #tpu.memory_space<vmem>> -> memref<1x2x128xi32, #tpu.memory_space<vmem>>
    %dma_start3A_83 = tpu.memref_squeeze %dma_start3A_82 : memref<1x2x128xi32, #tpu.memory_space<vmem>> -> memref<2x128xi32, #tpu.memory_space<vmem>>
    %dma_start3A_84 = arith.constant 0 : i32
    %dma_start3A_85 = tpu.memref_slice %arg2[%add3A_72, %dma_start3A_84] : memref<6400x128xi32, #tpu.memory_space<hbm>> -> memref<2x128xi32, #tpu.memory_space<hbm>>
    tpu.enqueue_dma source(%dma_start3A_85 : memref<2x128xi32, #tpu.memory_space<hbm>>) target(%dma_start3A_83 : memref<2x128xi32, #tpu.memory_space<vmem>>) target_semaphore(%arg10 : memref<!tpu.dma_semaphore, #tpu.memory_space<semaphore_mem>>)
    %scan3A = arith.constant 0 : i32
    %scan3A_86 = arith.constant 0 : i32
    %scan3A_87 = arith.constant 50 : i32
    %scan3A_88 = arith.addi %scan3A_86, %scan3A_87 : i32
    %scan3A_89 = arith.constant 1 : i32
    scf.for %scan3A_125 = %scan3A_86 to %scan3A_88 step %scan3A_89  : i32 {
      %mul3A_126 = arith.constant 2 : i32
      %mul3A_127 = arith.muli %scan3A_125, %mul3A_126 : i32
      %add3A_128 = arith.constant 0 : i32
      %add3A_129 = arith.addi %mul3A_127, %add3A_128 : i32
      %add3A_130 = arith.constant 1 : i32
      %add3A_131 = arith.addi %add3A_129, %add3A_130 : i32
      %lt3A = arith.constant 100 : i32
      %lt3A_132 = arith.cmpi slt, %add3A_131, %lt3A : i32
      %convert_element_type3A = arith.extui %lt3A_132 : i1 to i32
      %cond3A = arith.constant 0 : i32
      %cond3A_133 = arith.cmpi ne, %convert_element_type3A, %cond3A : i32
      scf.if %cond3A_133 {
        %add3A_275 = arith.constant 1 : i32
        %add3A_276 = arith.addi %add3A_129, %add3A_275 : i32
        %mul3A_277 = arith.constant 2 : i32
        %mul3A_278 = arith.muli %add3A_276, %mul3A_277 : i32
        %add3A_279 = arith.addi %mul3A_2, %mul3A_278 : i32
        %dma_wait3A_280 = arith.constant 1 : i32
        %dma_wait3A_281 = arith.constant 0 : i32
        %dma_wait3A_282 = arith.constant 0 : i32
        %dma_wait3A_283 = tpu.memref_slice %arg5[%dma_wait3A_280, %dma_wait3A_281, %dma_wait3A_282] : memref<2x2x128xi32, #tpu.memory_space<vmem>> -> memref<1x2x128xi32, #tpu.memory_space<vmem>>
        %dma_wait3A_284 = tpu.memref_squeeze %dma_wait3A_283 : memref<1x2x128xi32, #tpu.memory_space<vmem>> -> memref<2x128xi32, #tpu.memory_space<vmem>>
        %dma_wait3A_285 = arith.constant 0 : i32
        %dma_wait3A_286 = tpu.memref_slice %arg2[%add3A_279, %dma_wait3A_285] : memref<6400x128xi32, #tpu.memory_space<hbm>> -> memref<2x128xi32, #tpu.memory_space<hbm>>
        %dma_wait3A_287 = arith.constant 0 : i32
        %dma_wait3A_288 = arith.constant 0 : i32
        %dma_wait3A_289 = tpu.memref_slice %arg5[%dma_wait3A_280, %dma_wait3A_287, %dma_wait3A_288] : memref<2x2x128xi32, #tpu.memory_space<vmem>> -> memref<1x2x128xi32, #tpu.memory_space<vmem>>
        %dma_wait3A_290 = tpu.memref_squeeze %dma_wait3A_289 : memref<1x2x128xi32, #tpu.memory_space<vmem>> -> memref<2x128xi32, #tpu.memory_space<vmem>>
        %dma_wait3A_291 = arith.constant 0 : i32
        %dma_wait3A_292 = tpu.memref_slice %arg2[%add3A_279, %dma_wait3A_291] : memref<6400x128xi32, #tpu.memory_space<hbm>> -> memref<2x128xi32, #tpu.memory_space<hbm>>
        tpu.wait_dma2 semaphore(%arg10 : memref<!tpu.dma_semaphore, #tpu.memory_space<semaphore_mem>>) src(%dma_wait3A_292 : memref<2x128xi32, #tpu.memory_space<hbm>>) dst(%dma_wait3A_290 : memref<2x128xi32, #tpu.memory_space<vmem>>)
        %ge3A = arith.constant 1 : i32
        %ge3A_293 = arith.cmpi sge, %add3A_129, %ge3A : i32
        %convert_element_type3A_294 = arith.extui %ge3A_293 : i1 to i32
        %cond3A_295 = arith.constant 0 : i32
        %cond3A_296 = arith.cmpi ne, %convert_element_type3A_294, %cond3A_295 : i32
        scf.if %cond3A_296 {
          %sub3A = arith.constant 1 : i32
          %sub3A_339 = arith.subi %add3A_129, %sub3A : i32
          %mul3A_340 = arith.constant 2 : i32
          %mul3A_341 = arith.muli %sub3A_339, %mul3A_340 : i32
          %add3A_342 = arith.addi %mul3A_2, %mul3A_341 : i32
          %mul3A_343 = arith.constant 128 : i32
          %mul3A_344 = arith.muli %add3A_342, %mul3A_343 : i32
          %dma_wait3A_345 = arith.constant 1 : i32
          %dma_wait3A_346 = arith.constant 0 : i32
          %dma_wait3A_347 = arith.constant 0 : i32
          %dma_wait3A_348 = tpu.memref_slice %arg6[%dma_wait3A_345, %dma_wait3A_346, %dma_wait3A_347] : memref<2x256x128xf32, #tpu.memory_space<vmem>> -> memref<1x256x128xf32, #tpu.memory_space<vmem>>
          %dma_wait3A_349 = tpu.memref_squeeze %dma_wait3A_348 : memref<1x256x128xf32, #tpu.memory_space<vmem>> -> memref<256x128xf32, #tpu.memory_space<vmem>>
          %dma_wait3A_350 = arith.constant 0 : i32
          %dma_wait3A_351 = tpu.memref_slice %arg4[%mul3A_344, %dma_wait3A_350] : memref<819200x128xf32, #tpu.memory_space<hbm>> -> memref<256x128xf32, #tpu.memory_space<hbm>>
          %dma_wait3A_352 = arith.constant 0 : i32
          %dma_wait3A_353 = tpu.memref_slice %arg4[%mul3A_344, %dma_wait3A_352] : memref<819200x128xf32, #tpu.memory_space<hbm>> -> memref<256x128xf32, #tpu.memory_space<hbm>>
          %dma_wait3A_354 = arith.constant 0 : i32
          %dma_wait3A_355 = arith.constant 0 : i32
          %dma_wait3A_356 = tpu.memref_slice %arg6[%dma_wait3A_345, %dma_wait3A_354, %dma_wait3A_355] : memref<2x256x128xf32, #tpu.memory_space<vmem>> -> memref<1x256x128xf32, #tpu.memory_space<vmem>>
          %dma_wait3A_357 = tpu.memref_squeeze %dma_wait3A_356 : memref<1x256x128xf32, #tpu.memory_space<vmem>> -> memref<256x128xf32, #tpu.memory_space<vmem>>
          tpu.wait_dma2 semaphore(%arg12 : memref<!tpu.dma_semaphore, #tpu.memory_space<semaphore_mem>>) src(%dma_wait3A_357 : memref<256x128xf32, #tpu.memory_space<vmem>>) dst(%dma_wait3A_353 : memref<256x128xf32, #tpu.memory_space<hbm>>)
        } else {
        }
        %add3A_297 = arith.constant 1 : i32
        %add3A_298 = arith.addi %add3A_129, %add3A_297 : i32
        %dma_start3A_299 = arith.constant 1 : i32
        %dma_start3A_300 = arith.constant 0 : i32
        %dma_start3A_301 = arith.constant 1 : i32
        %dma_start3A_302 = arith.constant 0 : i32
        %dma_start3A_303 = arith.constant 0 : i32
        %dma_start3A_304 = tpu.memref_slice %arg6[%dma_start3A_301, %dma_start3A_302, %dma_start3A_303] : memref<2x256x128xf32, #tpu.memory_space<vmem>> -> memref<1x256x128xf32, #tpu.memory_space<vmem>>
        %dma_start3A_305 = tpu.memref_squeeze %dma_start3A_304 : memref<1x256x128xf32, #tpu.memory_space<vmem>> -> memref<256x128xf32, #tpu.memory_space<vmem>>
        %dma_start3A_306 = arith.constant 0 : i32
        %dma_start3A_307 = arith.constant 0 : i32
        %dma_start3A_308 = tpu.memref_slice %dma_start3A_305[%dma_start3A_306, %dma_start3A_307] : memref<256x128xf32, #tpu.memory_space<vmem>> -> memref<128x128xf32, #tpu.memory_space<vmem>>
        %dma_start3A_309 = arith.constant 0 : i32
        %dma_start3A_310 = arith.constant 0 : i32
        %dma_start3A_311 = tpu.memref_slice %arg5[%dma_start3A_299, %dma_start3A_309, %dma_start3A_310] : memref<2x2x128xi32, #tpu.memory_space<vmem>> -> memref<1x2x128xi32, #tpu.memory_space<vmem>>
        %dma_start3A_312 = tpu.memref_squeeze %dma_start3A_311 : memref<1x2x128xi32, #tpu.memory_space<vmem>> -> memref<2x128xi32, #tpu.memory_space<vmem>>
        %dma_start3A_313 = arith.constant 0 : i32
        %dma_start3A_314 = tpu.memref_slice %dma_start3A_312[%dma_start3A_300, %dma_start3A_313] : memref<2x128xi32, #tpu.memory_space<vmem>> -> memref<1x128xi32, #tpu.memory_space<vmem>>
        %dma_start3A_315 = tpu.memref_squeeze %dma_start3A_314 : memref<1x128xi32, #tpu.memory_space<vmem>> -> memref<128xi32, #tpu.memory_space<vmem>>
        %dma_start3A_316 = arith.constant 0 : i32
        %dma_start3A_317 = arith.constant 0 : i32
        %dma_start3A_318 = tpu.memref_slice %arg3[%dma_start3A_316, %dma_start3A_317] : memref<1000000x128xf32, #tpu.memory_space<hbm>> -> memref<1000000x128xf32, #tpu.memory_space<hbm>>
        tpu.enqueue_indirect_dma source(%dma_start3A_318 : memref<1000000x128xf32, #tpu.memory_space<hbm>>) target(%dma_start3A_308 : memref<128x128xf32, #tpu.memory_space<vmem>>) offsets(%dma_start3A_315 : memref<128xi32, #tpu.memory_space<vmem>>) semaphore(%arg8 : memref<!tpu.dma_semaphore, #tpu.memory_space<semaphore_mem>>)
        %dma_start3A_319 = arith.constant 1 : i32
        %dma_start3A_320 = arith.constant 1 : i32
        %dma_start3A_321 = arith.constant 1 : i32
        %dma_start3A_322 = arith.constant 0 : i32
        %dma_start3A_323 = arith.constant 0 : i32
        %dma_start3A_324 = tpu.memref_slice %arg6[%dma_start3A_321, %dma_start3A_322, %dma_start3A_323] : memref<2x256x128xf32, #tpu.memory_space<vmem>> -> memref<1x256x128xf32, #tpu.memory_space<vmem>>
        %dma_start3A_325 = tpu.memref_squeeze %dma_start3A_324 : memref<1x256x128xf32, #tpu.memory_space<vmem>> -> memref<256x128xf32, #tpu.memory_space<vmem>>
        %dma_start3A_326 = arith.constant 128 : i32
        %dma_start3A_327 = arith.constant 0 : i32
        %dma_start3A_328 = tpu.memref_slice %dma_start3A_325[%dma_start3A_326, %dma_start3A_327] : memref<256x128xf32, #tpu.memory_space<vmem>> -> memref<128x128xf32, #tpu.memory_space<vmem>>
        %dma_start3A_329 = arith.constant 0 : i32
        %dma_start3A_330 = arith.constant 0 : i32
        %dma_start3A_331 = tpu.memref_slice %arg5[%dma_start3A_319, %dma_start3A_329, %dma_start3A_330] : memref<2x2x128xi32, #tpu.memory_space<vmem>> -> memref<1x2x128xi32, #tpu.memory_space<vmem>>
        %dma_start3A_332 = tpu.memref_squeeze %dma_start3A_331 : memref<1x2x128xi32, #tpu.memory_space<vmem>> -> memref<2x128xi32, #tpu.memory_space<vmem>>
        %dma_start3A_333 = arith.constant 0 : i32
        %dma_start3A_334 = tpu.memref_slice %dma_start3A_332[%dma_start3A_320, %dma_start3A_333] : memref<2x128xi32, #tpu.memory_space<vmem>> -> memref<1x128xi32, #tpu.memory_space<vmem>>
        %dma_start3A_335 = tpu.memref_squeeze %dma_start3A_334 : memref<1x128xi32, #tpu.memory_space<vmem>> -> memref<128xi32, #tpu.memory_space<vmem>>
        %dma_start3A_336 = arith.constant 0 : i32
        %dma_start3A_337 = arith.constant 0 : i32
        %dma_start3A_338 = tpu.memref_slice %arg3[%dma_start3A_336, %dma_start3A_337] : memref<1000000x128xf32, #tpu.memory_space<hbm>> -> memref<1000000x128xf32, #tpu.memory_space<hbm>>
        tpu.enqueue_indirect_dma source(%dma_start3A_338 : memref<1000000x128xf32, #tpu.memory_space<hbm>>) target(%dma_start3A_328 : memref<128x128xf32, #tpu.memory_space<vmem>>) offsets(%dma_start3A_335 : memref<128xi32, #tpu.memory_space<vmem>>) semaphore(%arg8 : memref<!tpu.dma_semaphore, #tpu.memory_space<semaphore_mem>>)
      } else {
      }
      %dma_wait3A_134 = arith.constant 0 : i32
      %dma_wait3A_135 = arith.constant 0 : i32
      %dma_wait3A_136 = arith.constant 0 : i32
      %dma_wait3A_137 = arith.constant 0 : i32
      %dma_wait3A_138 = arith.constant 0 : i32
      %dma_wait3A_139 = tpu.memref_slice %arg6[%dma_wait3A_136, %dma_wait3A_137, %dma_wait3A_138] : memref<2x256x128xf32, #tpu.memory_space<vmem>> -> memref<1x256x128xf32, #tpu.memory_space<vmem>>
      %dma_wait3A_140 = tpu.memref_squeeze %dma_wait3A_139 : memref<1x256x128xf32, #tpu.memory_space<vmem>> -> memref<256x128xf32, #tpu.memory_space<vmem>>
      %dma_wait3A_141 = arith.constant 0 : i32
      %dma_wait3A_142 = arith.constant 0 : i32
      %dma_wait3A_143 = tpu.memref_slice %dma_wait3A_140[%dma_wait3A_141, %dma_wait3A_142] : memref<256x128xf32, #tpu.memory_space<vmem>> -> memref<128x128xf32, #tpu.memory_space<vmem>>
      %dma_wait3A_144 = arith.constant 0 : i32
      %dma_wait3A_145 = arith.constant 0 : i32
      %dma_wait3A_146 = tpu.memref_slice %arg5[%dma_wait3A_134, %dma_wait3A_144, %dma_wait3A_145] : memref<2x2x128xi32, #tpu.memory_space<vmem>> -> memref<1x2x128xi32, #tpu.memory_space<vmem>>
      %dma_wait3A_147 = tpu.memref_squeeze %dma_wait3A_146 : memref<1x2x128xi32, #tpu.memory_space<vmem>> -> memref<2x128xi32, #tpu.memory_space<vmem>>
      %dma_wait3A_148 = arith.constant 0 : i32
      %dma_wait3A_149 = tpu.memref_slice %dma_wait3A_147[%dma_wait3A_135, %dma_wait3A_148] : memref<2x128xi32, #tpu.memory_space<vmem>> -> memref<1x128xi32, #tpu.memory_space<vmem>>
      %dma_wait3A_150 = tpu.memref_squeeze %dma_wait3A_149 : memref<1x128xi32, #tpu.memory_space<vmem>> -> memref<128xi32, #tpu.memory_space<vmem>>
      %dma_wait3A_151 = arith.constant 0 : i32
      %dma_wait3A_152 = arith.constant 0 : i32
      %dma_wait3A_153 = tpu.memref_slice %arg3[%dma_wait3A_151, %dma_wait3A_152] : memref<1000000x128xf32, #tpu.memory_space<hbm>> -> memref<1000000x128xf32, #tpu.memory_space<hbm>>
      tpu.wait_indirect_dma semaphore(%arg7 : memref<!tpu.dma_semaphore, #tpu.memory_space<semaphore_mem>>) src(%dma_wait3A_153 : memref<1000000x128xf32, #tpu.memory_space<hbm>>) dst(%dma_wait3A_143 : memref<128x128xf32, #tpu.memory_space<vmem>>)
      %dma_wait3A_154 = arith.constant 0 : i32
      %dma_wait3A_155 = arith.constant 1 : i32
      %dma_wait3A_156 = arith.constant 0 : i32
      %dma_wait3A_157 = arith.constant 0 : i32
      %dma_wait3A_158 = arith.constant 0 : i32
      %dma_wait3A_159 = tpu.memref_slice %arg6[%dma_wait3A_156, %dma_wait3A_157, %dma_wait3A_158] : memref<2x256x128xf32, #tpu.memory_space<vmem>> -> memref<1x256x128xf32, #tpu.memory_space<vmem>>
      %dma_wait3A_160 = tpu.memref_squeeze %dma_wait3A_159 : memref<1x256x128xf32, #tpu.memory_space<vmem>> -> memref<256x128xf32, #tpu.memory_space<vmem>>
      %dma_wait3A_161 = arith.constant 128 : i32
      %dma_wait3A_162 = arith.constant 0 : i32
      %dma_wait3A_163 = tpu.memref_slice %dma_wait3A_160[%dma_wait3A_161, %dma_wait3A_162] : memref<256x128xf32, #tpu.memory_space<vmem>> -> memref<128x128xf32, #tpu.memory_space<vmem>>
      %dma_wait3A_164 = arith.constant 0 : i32
      %dma_wait3A_165 = arith.constant 0 : i32
      %dma_wait3A_166 = tpu.memref_slice %arg5[%dma_wait3A_154, %dma_wait3A_164, %dma_wait3A_165] : memref<2x2x128xi32, #tpu.memory_space<vmem>> -> memref<1x2x128xi32, #tpu.memory_space<vmem>>
      %dma_wait3A_167 = tpu.memref_squeeze %dma_wait3A_166 : memref<1x2x128xi32, #tpu.memory_space<vmem>> -> memref<2x128xi32, #tpu.memory_space<vmem>>
      %dma_wait3A_168 = arith.constant 0 : i32
      %dma_wait3A_169 = tpu.memref_slice %dma_wait3A_167[%dma_wait3A_155, %dma_wait3A_168] : memref<2x128xi32, #tpu.memory_space<vmem>> -> memref<1x128xi32, #tpu.memory_space<vmem>>
      %dma_wait3A_170 = tpu.memref_squeeze %dma_wait3A_169 : memref<1x128xi32, #tpu.memory_space<vmem>> -> memref<128xi32, #tpu.memory_space<vmem>>
      %dma_wait3A_171 = arith.constant 0 : i32
      %dma_wait3A_172 = arith.constant 0 : i32
      %dma_wait3A_173 = tpu.memref_slice %arg3[%dma_wait3A_171, %dma_wait3A_172] : memref<1000000x128xf32, #tpu.memory_space<hbm>> -> memref<1000000x128xf32, #tpu.memory_space<hbm>>
      tpu.wait_indirect_dma semaphore(%arg7 : memref<!tpu.dma_semaphore, #tpu.memory_space<semaphore_mem>>) src(%dma_wait3A_173 : memref<1000000x128xf32, #tpu.memory_space<hbm>>) dst(%dma_wait3A_163 : memref<128x128xf32, #tpu.memory_space<vmem>>)
      %add3A_174 = arith.constant 2 : i32
      %add3A_175 = arith.addi %add3A_129, %add3A_174 : i32
      %lt3A_176 = arith.constant 100 : i32
      %lt3A_177 = arith.cmpi slt, %add3A_175, %lt3A_176 : i32
      %convert_element_type3A_178 = arith.extui %lt3A_177 : i1 to i32
      %cond3A_179 = arith.constant 0 : i32
      %cond3A_180 = arith.cmpi ne, %convert_element_type3A_178, %cond3A_179 : i32
      scf.if %cond3A_180 {
        %add3A_275 = arith.constant 2 : i32
        %add3A_276 = arith.addi %add3A_129, %add3A_275 : i32
        %mul3A_277 = arith.constant 2 : i32
        %mul3A_278 = arith.muli %add3A_276, %mul3A_277 : i32
        %add3A_279 = arith.addi %mul3A_2, %mul3A_278 : i32
        %dma_start3A_280 = arith.constant 0 : i32
        %dma_start3A_281 = arith.constant 0 : i32
        %dma_start3A_282 = arith.constant 0 : i32
        %dma_start3A_283 = tpu.memref_slice %arg5[%dma_start3A_280, %dma_start3A_281, %dma_start3A_282] : memref<2x2x128xi32, #tpu.memory_space<vmem>> -> memref<1x2x128xi32, #tpu.memory_space<vmem>>
        %dma_start3A_284 = tpu.memref_squeeze %dma_start3A_283 : memref<1x2x128xi32, #tpu.memory_space<vmem>> -> memref<2x128xi32, #tpu.memory_space<vmem>>
        %dma_start3A_285 = arith.constant 0 : i32
        %dma_start3A_286 = tpu.memref_slice %arg2[%add3A_279, %dma_start3A_285] : memref<6400x128xi32, #tpu.memory_space<hbm>> -> memref<2x128xi32, #tpu.memory_space<hbm>>
        %dma_start3A_287 = arith.constant 0 : i32
        %dma_start3A_288 = arith.constant 0 : i32
        %dma_start3A_289 = tpu.memref_slice %arg5[%dma_start3A_280, %dma_start3A_287, %dma_start3A_288] : memref<2x2x128xi32, #tpu.memory_space<vmem>> -> memref<1x2x128xi32, #tpu.memory_space<vmem>>
        %dma_start3A_290 = tpu.memref_squeeze %dma_start3A_289 : memref<1x2x128xi32, #tpu.memory_space<vmem>> -> memref<2x128xi32, #tpu.memory_space<vmem>>
        %dma_start3A_291 = arith.constant 0 : i32
        %dma_start3A_292 = tpu.memref_slice %arg2[%add3A_279, %dma_start3A_291] : memref<6400x128xi32, #tpu.memory_space<hbm>> -> memref<2x128xi32, #tpu.memory_space<hbm>>
        tpu.enqueue_dma source(%dma_start3A_292 : memref<2x128xi32, #tpu.memory_space<hbm>>) target(%dma_start3A_290 : memref<2x128xi32, #tpu.memory_space<vmem>>) target_semaphore(%arg9 : memref<!tpu.dma_semaphore, #tpu.memory_space<semaphore_mem>>)
      } else {
      }
      %mul3A_181 = arith.constant 2 : i32
      %mul3A_182 = arith.muli %add3A_129, %mul3A_181 : i32
      %add3A_183 = arith.addi %mul3A_2, %mul3A_182 : i32
      %mul3A_184 = arith.constant 128 : i32
      %mul3A_185 = arith.muli %add3A_183, %mul3A_184 : i32
      %dma_start3A_186 = arith.constant 0 : i32
      %dma_start3A_187 = arith.constant 0 : i32
      %dma_start3A_188 = arith.constant 0 : i32
      %dma_start3A_189 = tpu.memref_slice %arg6[%dma_start3A_186, %dma_start3A_187, %dma_start3A_188] : memref<2x256x128xf32, #tpu.memory_space<vmem>> -> memref<1x256x128xf32, #tpu.memory_space<vmem>>
      %dma_start3A_190 = tpu.memref_squeeze %dma_start3A_189 : memref<1x256x128xf32, #tpu.memory_space<vmem>> -> memref<256x128xf32, #tpu.memory_space<vmem>>
      %dma_start3A_191 = arith.constant 0 : i32
      %dma_start3A_192 = tpu.memref_slice %arg4[%mul3A_185, %dma_start3A_191] : memref<819200x128xf32, #tpu.memory_space<hbm>> -> memref<256x128xf32, #tpu.memory_space<hbm>>
      %dma_start3A_193 = arith.constant 0 : i32
      %dma_start3A_194 = tpu.memref_slice %arg4[%mul3A_185, %dma_start3A_193] : memref<819200x128xf32, #tpu.memory_space<hbm>> -> memref<256x128xf32, #tpu.memory_space<hbm>>
      %dma_start3A_195 = arith.constant 0 : i32
      %dma_start3A_196 = arith.constant 0 : i32
      %dma_start3A_197 = tpu.memref_slice %arg6[%dma_start3A_186, %dma_start3A_195, %dma_start3A_196] : memref<2x256x128xf32, #tpu.memory_space<vmem>> -> memref<1x256x128xf32, #tpu.memory_space<vmem>>
      %dma_start3A_198 = tpu.memref_squeeze %dma_start3A_197 : memref<1x256x128xf32, #tpu.memory_space<vmem>> -> memref<256x128xf32, #tpu.memory_space<vmem>>
      tpu.enqueue_dma source(%dma_start3A_198 : memref<256x128xf32, #tpu.memory_space<vmem>>) target(%dma_start3A_194 : memref<256x128xf32, #tpu.memory_space<hbm>>) target_semaphore(%arg11 : memref<!tpu.dma_semaphore, #tpu.memory_space<semaphore_mem>>)
      %mul3A_199 = arith.constant 2 : i32
      %mul3A_200 = arith.muli %scan3A_125, %mul3A_199 : i32
      %add3A_201 = arith.constant 1 : i32
      %add3A_202 = arith.addi %mul3A_200, %add3A_201 : i32
      %add3A_203 = arith.constant 1 : i32
      %add3A_204 = arith.addi %add3A_202, %add3A_203 : i32
      %lt3A_205 = arith.constant 100 : i32
      %lt3A_206 = arith.cmpi slt, %add3A_204, %lt3A_205 : i32
      %convert_element_type3A_207 = arith.extui %lt3A_206 : i1 to i32
      %cond3A_208 = arith.constant 0 : i32
      %cond3A_209 = arith.cmpi ne, %convert_element_type3A_207, %cond3A_208 : i32
      scf.if %cond3A_209 {
        %add3A_275 = arith.constant 1 : i32
        %add3A_276 = arith.addi %add3A_202, %add3A_275 : i32
        %mul3A_277 = arith.constant 2 : i32
        %mul3A_278 = arith.muli %add3A_276, %mul3A_277 : i32
        %add3A_279 = arith.addi %mul3A_2, %mul3A_278 : i32
        %dma_wait3A_280 = arith.constant 0 : i32
        %dma_wait3A_281 = arith.constant 0 : i32
        %dma_wait3A_282 = arith.constant 0 : i32
        %dma_wait3A_283 = tpu.memref_slice %arg5[%dma_wait3A_280, %dma_wait3A_281, %dma_wait3A_282] : memref<2x2x128xi32, #tpu.memory_space<vmem>> -> memref<1x2x128xi32, #tpu.memory_space<vmem>>
        %dma_wait3A_284 = tpu.memref_squeeze %dma_wait3A_283 : memref<1x2x128xi32, #tpu.memory_space<vmem>> -> memref<2x128xi32, #tpu.memory_space<vmem>>
        %dma_wait3A_285 = arith.constant 0 : i32
        %dma_wait3A_286 = tpu.memref_slice %arg2[%add3A_279, %dma_wait3A_285] : memref<6400x128xi32, #tpu.memory_space<hbm>> -> memref<2x128xi32, #tpu.memory_space<hbm>>
        %dma_wait3A_287 = arith.constant 0 : i32
        %dma_wait3A_288 = arith.constant 0 : i32
        %dma_wait3A_289 = tpu.memref_slice %arg5[%dma_wait3A_280, %dma_wait3A_287, %dma_wait3A_288] : memref<2x2x128xi32, #tpu.memory_space<vmem>> -> memref<1x2x128xi32, #tpu.memory_space<vmem>>
        %dma_wait3A_290 = tpu.memref_squeeze %dma_wait3A_289 : memref<1x2x128xi32, #tpu.memory_space<vmem>> -> memref<2x128xi32, #tpu.memory_space<vmem>>
        %dma_wait3A_291 = arith.constant 0 : i32
        %dma_wait3A_292 = tpu.memref_slice %arg2[%add3A_279, %dma_wait3A_291] : memref<6400x128xi32, #tpu.memory_space<hbm>> -> memref<2x128xi32, #tpu.memory_space<hbm>>
        tpu.wait_dma2 semaphore(%arg9 : memref<!tpu.dma_semaphore, #tpu.memory_space<semaphore_mem>>) src(%dma_wait3A_292 : memref<2x128xi32, #tpu.memory_space<hbm>>) dst(%dma_wait3A_290 : memref<2x128xi32, #tpu.memory_space<vmem>>)
        %ge3A = arith.constant 1 : i32
        %ge3A_293 = arith.cmpi sge, %add3A_202, %ge3A : i32
        %convert_element_type3A_294 = arith.extui %ge3A_293 : i1 to i32
        %cond3A_295 = arith.constant 0 : i32
        %cond3A_296 = arith.cmpi ne, %convert_element_type3A_294, %cond3A_295 : i32
        scf.if %cond3A_296 {
          %sub3A = arith.constant 1 : i32
          %sub3A_339 = arith.subi %add3A_202, %sub3A : i32
          %mul3A_340 = arith.constant 2 : i32
          %mul3A_341 = arith.muli %sub3A_339, %mul3A_340 : i32
          %add3A_342 = arith.addi %mul3A_2, %mul3A_341 : i32
          %mul3A_343 = arith.constant 128 : i32
          %mul3A_344 = arith.muli %add3A_342, %mul3A_343 : i32
          %dma_wait3A_345 = arith.constant 0 : i32
          %dma_wait3A_346 = arith.constant 0 : i32
          %dma_wait3A_347 = arith.constant 0 : i32
          %dma_wait3A_348 = tpu.memref_slice %arg6[%dma_wait3A_345, %dma_wait3A_346, %dma_wait3A_347] : memref<2x256x128xf32, #tpu.memory_space<vmem>> -> memref<1x256x128xf32, #tpu.memory_space<vmem>>
          %dma_wait3A_349 = tpu.memref_squeeze %dma_wait3A_348 : memref<1x256x128xf32, #tpu.memory_space<vmem>> -> memref<256x128xf32, #tpu.memory_space<vmem>>
          %dma_wait3A_350 = arith.constant 0 : i32
          %dma_wait3A_351 = tpu.memref_slice %arg4[%mul3A_344, %dma_wait3A_350] : memref<819200x128xf32, #tpu.memory_space<hbm>> -> memref<256x128xf32, #tpu.memory_space<hbm>>
          %dma_wait3A_352 = arith.constant 0 : i32
          %dma_wait3A_353 = tpu.memref_slice %arg4[%mul3A_344, %dma_wait3A_352] : memref<819200x128xf32, #tpu.memory_space<hbm>> -> memref<256x128xf32, #tpu.memory_space<hbm>>
          %dma_wait3A_354 = arith.constant 0 : i32
          %dma_wait3A_355 = arith.constant 0 : i32
          %dma_wait3A_356 = tpu.memref_slice %arg6[%dma_wait3A_345, %dma_wait3A_354, %dma_wait3A_355] : memref<2x256x128xf32, #tpu.memory_space<vmem>> -> memref<1x256x128xf32, #tpu.memory_space<vmem>>
          %dma_wait3A_357 = tpu.memref_squeeze %dma_wait3A_356 : memref<1x256x128xf32, #tpu.memory_space<vmem>> -> memref<256x128xf32, #tpu.memory_space<vmem>>
          tpu.wait_dma2 semaphore(%arg11 : memref<!tpu.dma_semaphore, #tpu.memory_space<semaphore_mem>>) src(%dma_wait3A_357 : memref<256x128xf32, #tpu.memory_space<vmem>>) dst(%dma_wait3A_353 : memref<256x128xf32, #tpu.memory_space<hbm>>)
        } else {
        }
        %add3A_297 = arith.constant 1 : i32
        %add3A_298 = arith.addi %add3A_202, %add3A_297 : i32
        %dma_start3A_299 = arith.constant 0 : i32
        %dma_start3A_300 = arith.constant 0 : i32
        %dma_start3A_301 = arith.constant 0 : i32
        %dma_start3A_302 = arith.constant 0 : i32
        %dma_start3A_303 = arith.constant 0 : i32
        %dma_start3A_304 = tpu.memref_slice %arg6[%dma_start3A_301, %dma_start3A_302, %dma_start3A_303] : memref<2x256x128xf32, #tpu.memory_space<vmem>> -> memref<1x256x128xf32, #tpu.memory_space<vmem>>
        %dma_start3A_305 = tpu.memref_squeeze %dma_start3A_304 : memref<1x256x128xf32, #tpu.memory_space<vmem>> -> memref<256x128xf32, #tpu.memory_space<vmem>>
        %dma_start3A_306 = arith.constant 0 : i32
        %dma_start3A_307 = arith.constant 0 : i32
        %dma_start3A_308 = tpu.memref_slice %dma_start3A_305[%dma_start3A_306, %dma_start3A_307] : memref<256x128xf32, #tpu.memory_space<vmem>> -> memref<128x128xf32, #tpu.memory_space<vmem>>
        %dma_start3A_309 = arith.constant 0 : i32
        %dma_start3A_310 = arith.constant 0 : i32
        %dma_start3A_311 = tpu.memref_slice %arg5[%dma_start3A_299, %dma_start3A_309, %dma_start3A_310] : memref<2x2x128xi32, #tpu.memory_space<vmem>> -> memref<1x2x128xi32, #tpu.memory_space<vmem>>
        %dma_start3A_312 = tpu.memref_squeeze %dma_start3A_311 : memref<1x2x128xi32, #tpu.memory_space<vmem>> -> memref<2x128xi32, #tpu.memory_space<vmem>>
        %dma_start3A_313 = arith.constant 0 : i32
        %dma_start3A_314 = tpu.memref_slice %dma_start3A_312[%dma_start3A_300, %dma_start3A_313] : memref<2x128xi32, #tpu.memory_space<vmem>> -> memref<1x128xi32, #tpu.memory_space<vmem>>
        %dma_start3A_315 = tpu.memref_squeeze %dma_start3A_314 : memref<1x128xi32, #tpu.memory_space<vmem>> -> memref<128xi32, #tpu.memory_space<vmem>>
        %dma_start3A_316 = arith.constant 0 : i32
        %dma_start3A_317 = arith.constant 0 : i32
        %dma_start3A_318 = tpu.memref_slice %arg3[%dma_start3A_316, %dma_start3A_317] : memref<1000000x128xf32, #tpu.memory_space<hbm>> -> memref<1000000x128xf32, #tpu.memory_space<hbm>>
        tpu.enqueue_indirect_dma source(%dma_start3A_318 : memref<1000000x128xf32, #tpu.memory_space<hbm>>) target(%dma_start3A_308 : memref<128x128xf32, #tpu.memory_space<vmem>>) offsets(%dma_start3A_315 : memref<128xi32, #tpu.memory_space<vmem>>) semaphore(%arg7 : memref<!tpu.dma_semaphore, #tpu.memory_space<semaphore_mem>>)
        %dma_start3A_319 = arith.constant 0 : i32
        %dma_start3A_320 = arith.constant 1 : i32
        %dma_start3A_321 = arith.constant 0 : i32
        %dma_start3A_322 = arith.constant 0 : i32
        %dma_start3A_323 = arith.constant 0 : i32
        %dma_start3A_324 = tpu.memref_slice %arg6[%dma_start3A_321, %dma_start3A_322, %dma_start3A_323] : memref<2x256x128xf32, #tpu.memory_space<vmem>> -> memref<1x256x128xf32, #tpu.memory_space<vmem>>
        %dma_start3A_325 = tpu.memref_squeeze %dma_start3A_324 : memref<1x256x128xf32, #tpu.memory_space<vmem>> -> memref<256x128xf32, #tpu.memory_space<vmem>>
        %dma_start3A_326 = arith.constant 128 : i32
        %dma_start3A_327 = arith.constant 0 : i32
        %dma_start3A_328 = tpu.memref_slice %dma_start3A_325[%dma_start3A_326, %dma_start3A_327] : memref<256x128xf32, #tpu.memory_space<vmem>> -> memref<128x128xf32, #tpu.memory_space<vmem>>
        %dma_start3A_329 = arith.constant 0 : i32
        %dma_start3A_330 = arith.constant 0 : i32
        %dma_start3A_331 = tpu.memref_slice %arg5[%dma_start3A_319, %dma_start3A_329, %dma_start3A_330] : memref<2x2x128xi32, #tpu.memory_space<vmem>> -> memref<1x2x128xi32, #tpu.memory_space<vmem>>
        %dma_start3A_332 = tpu.memref_squeeze %dma_start3A_331 : memref<1x2x128xi32, #tpu.memory_space<vmem>> -> memref<2x128xi32, #tpu.memory_space<vmem>>
        %dma_start3A_333 = arith.constant 0 : i32
        %dma_start3A_334 = tpu.memref_slice %dma_start3A_332[%dma_start3A_320, %dma_start3A_333] : memref<2x128xi32, #tpu.memory_space<vmem>> -> memref<1x128xi32, #tpu.memory_space<vmem>>
        %dma_start3A_335 = tpu.memref_squeeze %dma_start3A_334 : memref<1x128xi32, #tpu.memory_space<vmem>> -> memref<128xi32, #tpu.memory_space<vmem>>
        %dma_start3A_336 = arith.constant 0 : i32
        %dma_start3A_337 = arith.constant 0 : i32
        %dma_start3A_338 = tpu.memref_slice %arg3[%dma_start3A_336, %dma_start3A_337] : memref<1000000x128xf32, #tpu.memory_space<hbm>> -> memref<1000000x128xf32, #tpu.memory_space<hbm>>
        tpu.enqueue_indirect_dma source(%dma_start3A_338 : memref<1000000x128xf32, #tpu.memory_space<hbm>>) target(%dma_start3A_328 : memref<128x128xf32, #tpu.memory_space<vmem>>) offsets(%dma_start3A_335 : memref<128xi32, #tpu.memory_space<vmem>>) semaphore(%arg7 : memref<!tpu.dma_semaphore, #tpu.memory_space<semaphore_mem>>)
      } else {
      }
      %dma_wait3A_210 = arith.constant 1 : i32
      %dma_wait3A_211 = arith.constant 0 : i32
      %dma_wait3A_212 = arith.constant 1 : i32
      %dma_wait3A_213 = arith.constant 0 : i32
      %dma_wait3A_214 = arith.constant 0 : i32
      %dma_wait3A_215 = tpu.memref_slice %arg6[%dma_wait3A_212, %dma_wait3A_213, %dma_wait3A_214] : memref<2x256x128xf32, #tpu.memory_space<vmem>> -> memref<1x256x128xf32, #tpu.memory_space<vmem>>
      %dma_wait3A_216 = tpu.memref_squeeze %dma_wait3A_215 : memref<1x256x128xf32, #tpu.memory_space<vmem>> -> memref<256x128xf32, #tpu.memory_space<vmem>>
      %dma_wait3A_217 = arith.constant 0 : i32
      %dma_wait3A_218 = arith.constant 0 : i32
      %dma_wait3A_219 = tpu.memref_slice %dma_wait3A_216[%dma_wait3A_217, %dma_wait3A_218] : memref<256x128xf32, #tpu.memory_space<vmem>> -> memref<128x128xf32, #tpu.memory_space<vmem>>
      %dma_wait3A_220 = arith.constant 0 : i32
      %dma_wait3A_221 = arith.constant 0 : i32
      %dma_wait3A_222 = tpu.memref_slice %arg5[%dma_wait3A_210, %dma_wait3A_220, %dma_wait3A_221] : memref<2x2x128xi32, #tpu.memory_space<vmem>> -> memref<1x2x128xi32, #tpu.memory_space<vmem>>
      %dma_wait3A_223 = tpu.memref_squeeze %dma_wait3A_222 : memref<1x2x128xi32, #tpu.memory_space<vmem>> -> memref<2x128xi32, #tpu.memory_space<vmem>>
      %dma_wait3A_224 = arith.constant 0 : i32
      %dma_wait3A_225 = tpu.memref_slice %dma_wait3A_223[%dma_wait3A_211, %dma_wait3A_224] : memref<2x128xi32, #tpu.memory_space<vmem>> -> memref<1x128xi32, #tpu.memory_space<vmem>>
      %dma_wait3A_226 = tpu.memref_squeeze %dma_wait3A_225 : memref<1x128xi32, #tpu.memory_space<vmem>> -> memref<128xi32, #tpu.memory_space<vmem>>
      %dma_wait3A_227 = arith.constant 0 : i32
      %dma_wait3A_228 = arith.constant 0 : i32
      %dma_wait3A_229 = tpu.memref_slice %arg3[%dma_wait3A_227, %dma_wait3A_228] : memref<1000000x128xf32, #tpu.memory_space<hbm>> -> memref<1000000x128xf32, #tpu.memory_space<hbm>>
      tpu.wait_indirect_dma semaphore(%arg8 : memref<!tpu.dma_semaphore, #tpu.memory_space<semaphore_mem>>) src(%dma_wait3A_229 : memref<1000000x128xf32, #tpu.memory_space<hbm>>) dst(%dma_wait3A_219 : memref<128x128xf32, #tpu.memory_space<vmem>>)
      %dma_wait3A_230 = arith.constant 1 : i32
      %dma_wait3A_231 = arith.constant 1 : i32
      %dma_wait3A_232 = arith.constant 1 : i32
      %dma_wait3A_233 = arith.constant 0 : i32
      %dma_wait3A_234 = arith.constant 0 : i32
      %dma_wait3A_235 = tpu.memref_slice %arg6[%dma_wait3A_232, %dma_wait3A_233, %dma_wait3A_234] : memref<2x256x128xf32, #tpu.memory_space<vmem>> -> memref<1x256x128xf32, #tpu.memory_space<vmem>>
      %dma_wait3A_236 = tpu.memref_squeeze %dma_wait3A_235 : memref<1x256x128xf32, #tpu.memory_space<vmem>> -> memref<256x128xf32, #tpu.memory_space<vmem>>
      %dma_wait3A_237 = arith.constant 128 : i32
      %dma_wait3A_238 = arith.constant 0 : i32
      %dma_wait3A_239 = tpu.memref_slice %dma_wait3A_236[%dma_wait3A_237, %dma_wait3A_238] : memref<256x128xf32, #tpu.memory_space<vmem>> -> memref<128x128xf32, #tpu.memory_space<vmem>>
      %dma_wait3A_240 = arith.constant 0 : i32
      %dma_wait3A_241 = arith.constant 0 : i32
      %dma_wait3A_242 = tpu.memref_slice %arg5[%dma_wait3A_230, %dma_wait3A_240, %dma_wait3A_241] : memref<2x2x128xi32, #tpu.memory_space<vmem>> -> memref<1x2x128xi32, #tpu.memory_space<vmem>>
      %dma_wait3A_243 = tpu.memref_squeeze %dma_wait3A_242 : memref<1x2x128xi32, #tpu.memory_space<vmem>> -> memref<2x128xi32, #tpu.memory_space<vmem>>
      %dma_wait3A_244 = arith.constant 0 : i32
      %dma_wait3A_245 = tpu.memref_slice %dma_wait3A_243[%dma_wait3A_231, %dma_wait3A_244] : memref<2x128xi32, #tpu.memory_space<vmem>> -> memref<1x128xi32, #tpu.memory_space<vmem>>
      %dma_wait3A_246 = tpu.memref_squeeze %dma_wait3A_245 : memref<1x128xi32, #tpu.memory_space<vmem>> -> memref<128xi32, #tpu.memory_space<vmem>>
      %dma_wait3A_247 = arith.constant 0 : i32
      %dma_wait3A_248 = arith.constant 0 : i32
      %dma_wait3A_249 = tpu.memref_slice %arg3[%dma_wait3A_247, %dma_wait3A_248] : memref<1000000x128xf32, #tpu.memory_space<hbm>> -> memref<1000000x128xf32, #tpu.memory_space<hbm>>
      tpu.wait_indirect_dma semaphore(%arg8 : memref<!tpu.dma_semaphore, #tpu.memory_space<semaphore_mem>>) src(%dma_wait3A_249 : memref<1000000x128xf32, #tpu.memory_space<hbm>>) dst(%dma_wait3A_239 : memref<128x128xf32, #tpu.memory_space<vmem>>)
      %add3A_250 = arith.constant 2 : i32
      %add3A_251 = arith.addi %add3A_202, %add3A_250 : i32
      %lt3A_252 = arith.constant 100 : i32
      %lt3A_253 = arith.cmpi slt, %add3A_251, %lt3A_252 : i32
      %convert_element_type3A_254 = arith.extui %lt3A_253 : i1 to i32
      %cond3A_255 = arith.constant 0 : i32
      %cond3A_256 = arith.cmpi ne, %convert_element_type3A_254, %cond3A_255 : i32
      scf.if %cond3A_256 {
        %add3A_275 = arith.constant 2 : i32
        %add3A_276 = arith.addi %add3A_202, %add3A_275 : i32
        %mul3A_277 = arith.constant 2 : i32
        %mul3A_278 = arith.muli %add3A_276, %mul3A_277 : i32
        %add3A_279 = arith.addi %mul3A_2, %mul3A_278 : i32
        %dma_start3A_280 = arith.constant 1 : i32
        %dma_start3A_281 = arith.constant 0 : i32
        %dma_start3A_282 = arith.constant 0 : i32
        %dma_start3A_283 = tpu.memref_slice %arg5[%dma_start3A_280, %dma_start3A_281, %dma_start3A_282] : memref<2x2x128xi32, #tpu.memory_space<vmem>> -> memref<1x2x128xi32, #tpu.memory_space<vmem>>
        %dma_start3A_284 = tpu.memref_squeeze %dma_start3A_283 : memref<1x2x128xi32, #tpu.memory_space<vmem>> -> memref<2x128xi32, #tpu.memory_space<vmem>>
        %dma_start3A_285 = arith.constant 0 : i32
        %dma_start3A_286 = tpu.memref_slice %arg2[%add3A_279, %dma_start3A_285] : memref<6400x128xi32, #tpu.memory_space<hbm>> -> memref<2x128xi32, #tpu.memory_space<hbm>>
        %dma_start3A_287 = arith.constant 0 : i32
        %dma_start3A_288 = arith.constant 0 : i32
        %dma_start3A_289 = tpu.memref_slice %arg5[%dma_start3A_280, %dma_start3A_287, %dma_start3A_288] : memref<2x2x128xi32, #tpu.memory_space<vmem>> -> memref<1x2x128xi32, #tpu.memory_space<vmem>>
        %dma_start3A_290 = tpu.memref_squeeze %dma_start3A_289 : memref<1x2x128xi32, #tpu.memory_space<vmem>> -> memref<2x128xi32, #tpu.memory_space<vmem>>
        %dma_start3A_291 = arith.constant 0 : i32
        %dma_start3A_292 = tpu.memref_slice %arg2[%add3A_279, %dma_start3A_291] : memref<6400x128xi32, #tpu.memory_space<hbm>> -> memref<2x128xi32, #tpu.memory_space<hbm>>
        tpu.enqueue_dma source(%dma_start3A_292 : memref<2x128xi32, #tpu.memory_space<hbm>>) target(%dma_start3A_290 : memref<2x128xi32, #tpu.memory_space<vmem>>) target_semaphore(%arg10 : memref<!tpu.dma_semaphore, #tpu.memory_space<semaphore_mem>>)
      } else {
      }
      %mul3A_257 = arith.constant 2 : i32
      %mul3A_258 = arith.muli %add3A_202, %mul3A_257 : i32
      %add3A_259 = arith.addi %mul3A_2, %mul3A_258 : i32
      %mul3A_260 = arith.constant 128 : i32
      %mul3A_261 = arith.muli %add3A_259, %mul3A_260 : i32
      %dma_start3A_262 = arith.constant 1 : i32
      %dma_start3A_263 = arith.constant 0 : i32
      %dma_start3A_264 = arith.constant 0 : i32
      %dma_start3A_265 = tpu.memref_slice %arg6[%dma_start3A_262, %dma_start3A_263, %dma_start3A_264] : memref<2x256x128xf32, #tpu.memory_space<vmem>> -> memref<1x256x128xf32, #tpu.memory_space<vmem>>
      %dma_start3A_266 = tpu.memref_squeeze %dma_start3A_265 : memref<1x256x128xf32, #tpu.memory_space<vmem>> -> memref<256x128xf32, #tpu.memory_space<vmem>>
      %dma_start3A_267 = arith.constant 0 : i32
      %dma_start3A_268 = tpu.memref_slice %arg4[%mul3A_261, %dma_start3A_267] : memref<819200x128xf32, #tpu.memory_space<hbm>> -> memref<256x128xf32, #tpu.memory_space<hbm>>
      %dma_start3A_269 = arith.constant 0 : i32
      %dma_start3A_270 = tpu.memref_slice %arg4[%mul3A_261, %dma_start3A_269] : memref<819200x128xf32, #tpu.memory_space<hbm>> -> memref<256x128xf32, #tpu.memory_space<hbm>>
      %dma_start3A_271 = arith.constant 0 : i32
      %dma_start3A_272 = arith.constant 0 : i32
      %dma_start3A_273 = tpu.memref_slice %arg6[%dma_start3A_262, %dma_start3A_271, %dma_start3A_272] : memref<2x256x128xf32, #tpu.memory_space<vmem>> -> memref<1x256x128xf32, #tpu.memory_space<vmem>>
      %dma_start3A_274 = tpu.memref_squeeze %dma_start3A_273 : memref<1x256x128xf32, #tpu.memory_space<vmem>> -> memref<256x128xf32, #tpu.memory_space<vmem>>
      tpu.enqueue_dma source(%dma_start3A_274 : memref<256x128xf32, #tpu.memory_space<vmem>>) target(%dma_start3A_270 : memref<256x128xf32, #tpu.memory_space<hbm>>) target_semaphore(%arg12 : memref<!tpu.dma_semaphore, #tpu.memory_space<semaphore_mem>>)
    }
    %scan3A_90 = arith.constant 50 : i32
    %add3A_91 = arith.constant 196 : i32
    %add3A_92 = arith.addi %mul3A_2, %add3A_91 : i32
    %mul3A_93 = arith.constant 128 : i32
    %mul3A_94 = arith.muli %add3A_92, %mul3A_93 : i32
    %dma_wait3A_95 = arith.constant 0 : i32
    %dma_wait3A_96 = arith.constant 0 : i32
    %dma_wait3A_97 = arith.constant 0 : i32
    %dma_wait3A_98 = tpu.memref_slice %arg6[%dma_wait3A_95, %dma_wait3A_96, %dma_wait3A_97] : memref<2x256x128xf32, #tpu.memory_space<vmem>> -> memref<1x256x128xf32, #tpu.memory_space<vmem>>
    %dma_wait3A_99 = tpu.memref_squeeze %dma_wait3A_98 : memref<1x256x128xf32, #tpu.memory_space<vmem>> -> memref<256x128xf32, #tpu.memory_space<vmem>>
    %dma_wait3A_100 = arith.constant 0 : i32
    %dma_wait3A_101 = tpu.memref_slice %arg4[%mul3A_94, %dma_wait3A_100] : memref<819200x128xf32, #tpu.memory_space<hbm>> -> memref<256x128xf32, #tpu.memory_space<hbm>>
    %dma_wait3A_102 = arith.constant 0 : i32
    %dma_wait3A_103 = tpu.memref_slice %arg4[%mul3A_94, %dma_wait3A_102] : memref<819200x128xf32, #tpu.memory_space<hbm>> -> memref<256x128xf32, #tpu.memory_space<hbm>>
    %dma_wait3A_104 = arith.constant 0 : i32
    %dma_wait3A_105 = arith.constant 0 : i32
    %dma_wait3A_106 = tpu.memref_slice %arg6[%dma_wait3A_95, %dma_wait3A_104, %dma_wait3A_105] : memref<2x256x128xf32, #tpu.memory_space<vmem>> -> memref<1x256x128xf32, #tpu.memory_space<vmem>>
    %dma_wait3A_107 = tpu.memref_squeeze %dma_wait3A_106 : memref<1x256x128xf32, #tpu.memory_space<vmem>> -> memref<256x128xf32, #tpu.memory_space<vmem>>
    tpu.wait_dma2 semaphore(%arg11 : memref<!tpu.dma_semaphore, #tpu.memory_space<semaphore_mem>>) src(%dma_wait3A_107 : memref<256x128xf32, #tpu.memory_space<vmem>>) dst(%dma_wait3A_103 : memref<256x128xf32, #tpu.memory_space<hbm>>)
    %add3A_108 = arith.constant 198 : i32
    %add3A_109 = arith.addi %mul3A_2, %add3A_108 : i32
    %mul3A_110 = arith.constant 128 : i32
    %mul3A_111 = arith.muli %add3A_109, %mul3A_110 : i32
    %dma_wait3A_112 = arith.constant 1 : i32
    %dma_wait3A_113 = arith.constant 0 : i32
    %dma_wait3A_114 = arith.constant 0 : i32
    %dma_wait3A_115 = tpu.memref_slice %arg6[%dma_wait3A_112, %dma_wait3A_113, %dma_wait3A_114] : memref<2x256x128xf32, #tpu.memory_space<vmem>> -> memref<1x256x128xf32, #tpu.memory_space<vmem>>
    %dma_wait3A_116 = tpu.memref_squeeze %dma_wait3A_115 : memref<1x256x128xf32, #tpu.memory_space<vmem>> -> memref<256x128xf32, #tpu.memory_space<vmem>>
    %dma_wait3A_117 = arith.constant 0 : i32
    %dma_wait3A_118 = tpu.memref_slice %arg4[%mul3A_111, %dma_wait3A_117] : memref<819200x128xf32, #tpu.memory_space<hbm>> -> memref<256x128xf32, #tpu.memory_space<hbm>>
    %dma_wait3A_119 = arith.constant 0 : i32
    %dma_wait3A_120 = tpu.memref_slice %arg4[%mul3A_111, %dma_wait3A_119] : memref<819200x128xf32, #tpu.memory_space<hbm>> -> memref<256x128xf32, #tpu.memory_space<hbm>>
    %dma_wait3A_121 = arith.constant 0 : i32
    %dma_wait3A_122 = arith.constant 0 : i32
    %dma_wait3A_123 = tpu.memref_slice %arg6[%dma_wait3A_112, %dma_wait3A_121, %dma_wait3A_122] : memref<2x256x128xf32, #tpu.memory_space<vmem>> -> memref<1x256x128xf32, #tpu.memory_space<vmem>>
    %dma_wait3A_124 = tpu.memref_squeeze %dma_wait3A_123 : memref<1x256x128xf32, #tpu.memory_space<vmem>> -> memref<256x128xf32, #tpu.memory_space<vmem>>
    tpu.wait_dma2 semaphore(%arg12 : memref<!tpu.dma_semaphore, #tpu.memory_space<semaphore_mem>>) src(%dma_wait3A_124 : memref<256x128xf32, #tpu.memory_space<vmem>>) dst(%dma_wait3A_120 : memref<256x128xf32, #tpu.memory_space<hbm>>)
    return
  }
}

module attributes {stable_mosaic.version = 14 : i64} {
  func.func @_tc_transpose_body(%arg0: i32, %arg1: memref<64x12288xf32, #tpu.memory_space<vmem>>, %arg2: memref<12288x128xf32, #tpu.memory_space<vmem>>) attributes {dimension_semantics = [#tpu.dimension_semantics<arbitrary>], iteration_bounds = array<i64: 82>, scalar_prefetch = 0 : i64, scratch_operands = 0 : i64, tpu.core_type = #tpu.core_type<tc>, window_params = [{transform_indices = @transform_0, window_bounds = array<i64: 64, 12288>}, {transform_indices = @transform_1, window_bounds = array<i64: 12288, 128>}]} {
    %get3A = arith.constant 0 : index
    %get3A_0 = arith.constant 0 : index
    %get3A_1 = vector.load %arg1[%get3A, %get3A_0] : memref<64x12288xf32, #tpu.memory_space<vmem>>, vector<64x12288xf32>
    %transpose3A = tpu.transpose %get3A_1, [1, 0] : vector<64x12288xf32> -> vector<12288x64xf32>
    %swap3A = arith.constant 0 : index
    %swap3A_2 = arith.constant 0 : index
    %swap3A_3 = vector.load %arg2[%swap3A, %swap3A_2] : memref<12288x128xf32, #tpu.memory_space<vmem>>, vector<12288x64xf32>
    tpu.vector_store %arg2[%swap3A, %swap3A_2], %transpose3A {strides = array<i32>} : memref<12288x128xf32, #tpu.memory_space<vmem>>, vector<12288x64xf32>,
    return
  }
  func.func @transform_0(%arg0: i32) -> (i32, i32) {
    %c0_i32 = arith.constant 0 : i32
    %c0_i32_0 = arith.constant 0 : i32
    return %c0_i32, %arg0 : i32, i32
  }
  func.func @transform_1(%arg0: i32) -> (i32, i32) {
    %c0_i32 = arith.constant 0 : i32
    %c0_i32_0 = arith.constant 0 : i32
    return %arg0, %c0_i32 : i32, i32
  }
}

</mosaic_0001>

<sc_bundles>
// kernel: kernel.4.cloned.1.call-start
scs
__scs_entry_jumppad:
0x0: {  	(pc) =	sbr.rel $0x88, $3  }
0x1: {  	(tag) =	ssettag $0x0;
	lr =	simm.s32 $0x1  }
0x2: {  	[smem:$0x3F9F] =	sst lr;
	_ =	strace $0xD0000000  }
0x3: {  	_ = 	snop  }
0x4: {  	_ = 	snop  }
0x5: {  	_ = 	snop  }
0x6: {  	_ = 	snop  }
0x7: {  	_ = 	snop  }
__scs_overlays_trampoline_lowered:
0x8: {  	[smem:$0x3FAE] =	sst s0  }
0x9: {  	[smem:$0x3FAF] =	sst s1  }
0xa: {  	[smem:$0x3FB0] =	sst s2  }
0xb: {  	[smem:$0x3FB1] =	sst s3  }
0xc: {  	[smem:$0x3FB2] =	sst s4  }
0xd: {  	[smem:$0x3FB3] =	sst s5  }
0xe: {  	[smem:$0x3FB4] =	sst s6  }
0xf: {  	[smem:$0x3FB5] =	sst s7  }
0x10: {  	[smem:$0x3FB6] =	sst s8  }
0x11: {  	[smem:$0x3FB7] =	sst s9;
	s0 =	simm.s32 @!p0 $0x0  }
0x12: {  	s1 =	sld [smem:$0x3F9D];
	s0 =	simm.s32 @p0 $0x1  }
0x13: {  	[smem:$0x3FB8] =	sst s0;
	s0 =	simm.s32 @!p1 $0x0  }
0x14: {  	s2 =	sld [smem:$0x3F9C];
	s0 =	simm.s32 @p1 $0x1  }
0x15: {  	[smem:$0x3FB9] =	sst s0;
	s0 =	simm.s32 @!p2 $0x0  }
0x16: {  	s3 =	sld [smem:$0x3FDB];
	s0 =	simm.s32 @p2 $0x1  }
0x17: {  	s4 =	simm.s32 $0x1BF5;
	[smem:$0x3FBB] =	sst s0  }
0x18: {  	s0 =	sld [smem:$0x3F9E];
	_ =	swait.ge [sflag:s4], $0x0  }
0x19: {  	s7 =	sld [smem:$0x3F9F]  }
0x1a: {  	s8 =	sadd.s32 $0xFFFFE003, lr  }
0x1b: {  	s9 =	sadd.s32 $0xFFFFFEF7, lr;
	s5 =	simm.s32 $0xFFFFFFFF;
	p2 =	slt.u32 s8, $0xFFFFF086  }
0x1c: {  	p1 =	slt.u32 s9, $0xF7A;
	s5 =	simm.s32 @!p2 $0x0  }
0x1d: {  	s5 =	simm.s32 @p1 $0x1;
	p0 =	seq.s32 s7, s2  }
0x1e: {  	s7 =	smul.u32 @!p0 $0xF7A, s2;
	p2 =	seq.s32 @!p0 s5, $0x0  }
0x1f: {  	s9 =	smul.u32 $0xF7A, s1;
	s8 =	simm.s32 @!p0 $0x1BF5;
	p2 =	por !p2, p0  }
0x20: {  	[sflag:s8] =	ssyncset.s32 @!p0 $0xFFFFF086;
	s6 =	sadd.s32 @!p0 s3, s7;
	s7 =	simm.s32 @!p0 $0x108  }
0x21: {  	s3 =	sadd.s32 s3, s9;
	s6 =	sadd.s32 @!p0 $0x88, s6;
	s7 =	simm.s32 @p2 $0x1082  }
0x22: {  	[simem:s7], [sflag:s8] =	dma.local @!p0 [hbm:s6], $0xF7A  }
0x23: {  	s9 =	sor.u32 $0xD0000000, s2;
	s6 =	simm.s32 $0x108;
	_ =	swait.ge @!p0 [sflag:s8], $0x0  }
0x24: {  	s3 =	sadd.s32 $0x88, s3;
	s6 =	simm.s32 @!p1 $0x1082;
	[sflag:s4] =	ssyncset.s32 $0xFFFFF086  }
0x25: {  	[simem:s6], [sflag:s4] =	dma.local [hbm:s3], $0xF7A  }
0x26: {  	[smem:$0x3F9F] =	sst s1;
	(tag) =	ssettag s2;
	_ =	strace s9  }
0x27: {  	s1 =	sld [smem:$0x3FAF]  }
0x28: {  	s2 =	sld [smem:$0x3FB0]  }
0x29: {  	s4 =	sld [smem:$0x3FB2]  }
0x2a: {  	p0 =	seq.s32 s5, $0x0;
	s5 =	sld [smem:$0x3FB3]  }
0x2b: {  	s6 =	sld [smem:$0x3FB4]  }
0x2c: {  	s7 =	sld [smem:$0x3FB5]  }
0x2d: {  	s3 =	simm.s32 $0x108;
	s8 =	sld [smem:$0x3FB6]  }
0x2e: {  	s3 =	simm.s32 @!p0 $0x1082;
	s9 =	sld [smem:$0x3FB7]  }
0x2f: {  	lr =	sadd.s32 s0, s3;
	s0 =	sld [smem:$0x3FAE]  }
0x30: {  	s3 =	sld [smem:$0x3FB1]  }
0x31: {  	[smem:$0x3FBA] =	sst s10  }
0x32: {  	s10 =	sld [smem:$0x3FB8];
	_ =	sdelay $0x3  }
0x33: {  	p0 =	seq.s32 s10, $0x1;
	s10 =	sld [smem:$0x3FBA];
	_ =	sdelay $0x3  }
0x34: {  	[smem:$0x3FBA] =	sst s10  }
0x35: {  	s10 =	sld [smem:$0x3FB9];
	_ =	sdelay $0x3  }
0x36: {  	p1 =	seq.s32 s10, $0x1;
	s10 =	sld [smem:$0x3FBA];
	_ =	sdelay $0x3  }
0x37: {  	[smem:$0x3FBA] =	sst s10  }
0x38: {  	s10 =	sld [smem:$0x3FBB]  }
0x39: {  	_ = 	snop;
	(pc) =	sbr.ind lr, $3  }
0x3a: {  	_ = 	snop  }
0x3b: {  	_ = 	snop  }
0x3c: {  	p2 =	seq.s32 s10, $0x1;
	s10 =	sld [smem:$0x3FBA]  }
0x3d: {  	_ =	shalt  }
0x3e: {  	_ =	shalt  }
0x3f: {  	_ =	shalt  }
0x40: {  	_ =	shalt  }
0x41: {  	_ =	shalt  }
0x42: {  	_ =	shalt  }
0x43: {  	_ =	shalt  }
0x44: {  	_ =	shalt  }
0x45: {  	_ =	shalt  }
0x46: {  	_ =	shalt  }
0x47: {  	_ =	shalt  }
0x48: {  	_ =	shalt  }
0x49: {  	_ =	shalt  }
0x4a: {  	_ =	shalt  }
0x4b: {  	_ =	shalt  }
0x4c: {  	_ =	shalt  }
0x4d: {  	_ =	shalt  }
0x4e: {  	_ =	shalt  }
0x4f: {  	_ =	shalt  }
0x50: {  	_ =	shalt  }
0x51: {  	_ =	shalt  }
0x52: {  	_ =	shalt  }
0x53: {  	_ =	shalt  }
0x54: {  	_ =	shalt  }
0x55: {  	_ =	shalt  }
0x56: {  	_ =	shalt  }
0x57: {  	_ =	shalt  }
0x58: {  	_ =	shalt  }
0x59: {  	_ =	shalt  }
0x5a: {  	_ =	shalt  }
0x5b: {  	_ =	shalt  }
0x5c: {  	_ =	shalt  }
0x5d: {  	_ =	shalt  }
0x5e: {  	_ =	shalt  }
0x5f: {  	_ =	shalt  }
0x60: {  	_ =	shalt  }
0x61: {  	_ =	shalt  }
0x62: {  	_ =	shalt  }
0x63: {  	_ =	shalt  }
0x64: {  	_ =	shalt  }
0x65: {  	_ =	shalt  }
0x66: {  	_ =	shalt  }
0x67: {  	_ =	shalt  }
0x68: {  	_ =	shalt  }
0x69: {  	_ =	shalt  }
0x6a: {  	_ =	shalt  }
0x6b: {  	_ =	shalt  }
0x6c: {  	_ =	shalt  }
0x6d: {  	_ =	shalt  }
0x6e: {  	_ =	shalt  }
0x6f: {  	_ =	shalt  }
0x70: {  	_ =	shalt  }
0x71: {  	_ =	shalt  }
0x72: {  	_ =	shalt  }
0x73: {  	_ =	shalt  }
0x74: {  	_ =	shalt  }
0x75: {  	_ =	shalt  }
0x76: {  	_ =	shalt  }
0x77: {  	_ =	shalt  }
0x78: {  	_ =	shalt  }
0x79: {  	_ =	shalt  }
0x7a: {  	_ =	shalt  }
0x7b: {  	_ =	shalt  }
0x7c: {  	_ =	shalt  }
0x7d: {  	_ =	shalt  }
0x7e: {  	_ =	shalt  }
0x7f: {  	_ =	shalt  }
0x80: {  	_ =	shalt  }
0x81: {  	_ =	shalt  }
0x82: {  	_ =	shalt  }
0x83: {  	_ =	shalt  }
0x84: {  	_ =	shalt  }
0x85: {  	_ =	shalt  }
0x86: {  	_ =	shalt  }
0x87: {  	_ =	shalt  }
.Lfunc_end0:
.L_simem_size_0:
called_computation.1_lowered:
.L_overlay_start_0:
0x88: {  	s2 =	sld [smem:$0x3FD9]  }
0x89: {  	s3 =	sld [smem:$0x3FFE];
	_ =	sdelay $0x1  }
0x8a: {  	s1 =	srdreg.scid  }
0x8b: {  	s0 =	sand.u32 $0x1, s1  }
0x8c: {  	s17 =	sshll.u32 s0, $0xA;
	s2 =	sadd.s32 s3, s2  }
0x8d: {  	s2 =	sadd.s32 s2, s17  }
0x8e: {  	[smem:$0x3FC6] =	sst s2  }
0x8f: {  	_ = 	snop  }
0x90: {  	s2 =	sld [smem:$0x3FD0];
	(tm) =	ssettm $0x1  }
0x91: {  	s18 =	sld [smem:$0x3FFB];
	_ =	sdelay $0x3  }
0x92: {  	_ =	strace s18  }
0x93: {  	s3 =	sld [smem:$0x3FFC];
	_ =	sdelay $0x3  }
0x94: {  	_ =	strace s3  }
0x95: {  	s3 =	sld [smem:$0x3FFD];
	_ =	sdelay $0x3  }
0x96: {  	_ =	strace s3  }
0x97: {  	_ =	strace $0x8FFFFFFF  }
0x98: {  	s19 =	sld [smem:$0x3FDB];
	_ =	sdelay $0x1  }
0x99: {  	s4 =	simm.s32 $_scs_section_size  }
0x9a: {  	s5 =	simm.s32 $_size__tile_overlayer_lowered;
	s6 =	simm.s32 $_tile_overlayer_lowered  }
0x9b: {  	s22 =	simm.s32 $0x1BFF;
	s21 =	sshll.u32 s6, $0x1;
	s3 =	sadd.s32 s4, s19  }
0x9c: {  	s7 =	simm.s32 $0x0;
	s20 =	sshll.u32 s5, $0x1;
	s5 =	sadd.s32 s21, s3  }
0x9d: {  	[timem:s7], [sflag:s22] =	dma.local [hbm:s5], s20  }
0x9e: {  	_ =	swait.ge [sflag:s22], s20  }
0x9f: {  	s4 =	ssub.s32 $0x0, s20;
	[sflag:s22] =	ssyncset.done $0x0  }
0xa0: {  	[sflag:s22] =	ssyncadd.s32 s4;
	_ =	sdelay $0x1  }
0xa1: {  	s23 =	simm.s32 $0x1B8B  }
0xa2: {  	_ =	swait.ge [sflag:s23], $0x1  }
0xa3: {  	[sflag:s23] =	ssyncset.done $0x0  }
0xa4: {  	s25 =	simm.s32 $0x1B8E;
	s24 =	sld [smem:$0x3FFE];
	[sflag:s23] =	ssyncadd.s32 $0xFFFFFFFF  }
0xa5: {  	s26 =	simm.s32 $execute0_lowered;
	[smem:$0x3FD2] =	sst s25  }
0xa6: {  	s5 =	sshll.u32 s26, $0x1;
	_ =	strace $0x80000046;
	[dreg:$0x1] =	wrdreg $0xFFFFFFFF  }
0xa7: {  	s28 =	simm.s32 $_size_execute0_lowered;
	s3 =	sadd.s32 s3, s5;
	[dreg:$0x0] =	wrdreg $0x0  }
0xa8: {  	s5 =	sshll.u32 s28, $0x1;
	[dreg:$0x2] =	wrdreg s3  }
0xa9: {  	[dreg:$0x3] =	wrdreg s5  }
0xaa: {  	[dreg:$0x4] =	wrdreg $0xC0  }
0xab: {  	_ =	task [dreg:s7], $0x5FFFF  }
0xac: {  	[dreg:$0x1] =	wrdreg $0xFFFFFFFF  }
0xad: {  	[dreg:$0x0] =	wrdreg $0x60  }
0xae: {  	[dreg:$0x2] =	wrdreg s2  }
0xaf: {  	[dreg:$0x3] =	wrdreg s24  }
0xb0: {  	[dreg:$0x4] =	wrdreg $0x9  }
0xb1: {  	_ =	task.clear_ibuf [dreg:s7], $0x5FFFF;
	_ =	strace $0x90000046  }
0xb2: {  	s29 =	simm.s32 $0x9;
	_ =	strace $0x80000048  }
0xb3: {  	_ =	swait.ge [sflag:s29], $0x1  }
0xb4: {  	[sflag:s29] =	ssyncadd.s32 $0xFFFFFFFF  }
0xb5: {  	_ =	strace $0x90000048  }
0xb6: {  	_ =	sfence  }
0xb7: {  	s30 =	sld [smem:$0x0];
	_ =	sdelay $0x2  }
0xb8: {  	s31 =	sshll.u32 s1, $0xD;
	s1 =	sshrl.u32 s1, $0x2  }
0xb9: {  	s3 =	sand.u32 $0x4000, s31;
	s1 =	sadd.s32 s1, s30  }
0xba: {  	s0 =	sor.u32 s3, s0;
	s1 =	sshll.u32 s1, $0x11  }
0xbb: {  	s0 =	sor.u32 s1, s0  }
0xbc: {  	s0 =	sadd.s32 $0x8F2B, s0  }
0xbd: {  	[sflag:s0] =	ssyncadd.remote.s32 $0x1  }
0xbe: {  	_ =	sfence.sel $0xFFFF  }
0xbf: {  	[dreg:$0x0] =	wrdreg $0xFFFFFFFF;
	(pc) =	sbr.abs _section_cstart, $3  }
0xc0: {  	[dreg:$0x1] =	wrdreg $0xFFFFFFFF  }
0xc1: {  	_ =	task.clear_ibuf [dreg:s7], $0x2FFFF;
	_ =	strace $0x9FFFFFFF  }
0xc2: {  	(tm) =	ssettm $0x7FFFFFFF  }
0xc3: {  	_ =	shalt  }
tec
execute0_lowered:
.L_overlay_start_1:
0x0: {  	(tag) =	ssettag $0x1  }
0x1: {  	s1 =	srdreg.scid;
	s2 =	rddreg [dreg:$0x0]  }
0x2: {  	s0 =	stileid.u32;
	s5 =	rddreg [dreg:$0x1]  }
0x3: {  	s3 =	simm.s32 $0x0;
	s14 =	simm.s32 $0x4200;
	s15 =	simm.s32 $0x100  }
0x4: {  	s17 =	simm.s32 $0x180;
	s16 =	simm.s32 $0x4;
	s18 =	simm.s32 $0xC200  }
0x5: {  	s19 =	simm.s32 $0x5;
	s20 =	simm.s32 $0x6;
	s21 =	simm.s32 $0x0  }
0x6: {  	s7 =	sand.u32 $0x1, s1;
	s29 =	sshll.u32 s0, $0x1;
	s1 =	rddreg [dreg:$0x2]  }
0x7: {  	[smem:$0x7FF] =	sst s3;
	s9 =	smul.u32 $0x640000, s0;
	s12 =	sadd.s32 $0xF42C00, s5  }
0x8: {  	s30 =	smul.u32 $0xC800, s0;
	s4 =	sor.u32 s7, s29;
	s8 =	ssub.s32 $0x2, s7  }
0x9: {  	_ =	strace $0x80000047;
	s11 =	smul.u32 $0x320000, s7;
	[dreg:$0x4] =	wrdreg s17  }
0xa: {  	s13 =	smul.u32 $0x6400, s7;
	s17 =	simm.s32 $0x8200;
	[dreg:$0x3] =	wrdreg s18  }
0xb: {  	s18 =	simm.s32 $0x1;
	s6 =	smul.u32 $0xC80, s4;
	s10 =	sshrl.u32 s8, $0x1  }
0xc: {  	s4 =	sadd.s32 $0x800, s5;
	s8 =	ssub.s32 s8, s10;
	s9 =	sadd.s32 s11, s9  }
0xd: {  	s10 =	sadd.s32 s13, s30;
	s13 =	simm.s32 $0x200;
	s5 =	sadd.s32 s2, s6  }
0xe: {  	s11 =	sor.u32 $0x8000, s9;
	s7 =	smax.u32 s8, $0x1;
	s9 =	sshrl.u32 s9, $0x3  }
0xf: {  	s6 =	sadd.s32 $0x20, s5;
	s31 =	sshrl.u32 s11, $0x3;
	s9 =	sadd.s32 s9, s12  }
0x10: {  	s11 =	simm.s32 $0x3;
	s8 =	sadd.s32 s31, s12;
	s12 =	simm.s32 $0x80  }
.LBB2_1:
0x11: {  	[tilespmem:s3], [sflag:$0x3] =	stream.linear.gather [hbm4b:s5+s3], $0x100, $0x38;
	[tilespmem:$0x10200] =	vst v63  }
0x12: {  	_ =	swait.ge [sflag:s11], $0x100  }
0x13: {  	[sflag:s11] =	ssyncset.done $0x0  }
0x14: {  	[sflag:s11] =	ssyncadd.s32 $0xFFFFFF00  }
0x15: {  	[tilespmem:s13], [sflag:$0x1] =	stream.indirect.gather [hbm4b:s4+s12], $0x80, s3, s12, $0xb8;
	[tilespmem:$0x10200] =	vst v63  }
0x16: {  	_ = 	snop  }
0x17: {  	[tilespmem:s14], [sflag:$0x1] =	stream.indirect.gather [hbm4b:s4+s12], $0x80, s12, s12, $0xb8;
	[tilespmem:$0x10200] =	vst v63  }
0x18: {  	_ = 	snop  }
0x19: {  	[tilespmem:s15], [sflag:$0x4] =	stream.linear.gather [hbm4b:s6+s3], $0x100, $0x38;
	[tilespmem:$0x10200] =	vst v63  }
0x1a: {  	_ =	swait.ge [sflag:s16], $0x100  }
0x1b: {  	p0 =	por $0x1, $0x1;
	[sflag:s16] =	ssyncset.done $0x0  }
0x1c: {  	s22 =	simm.s32 @!p0 $0x6;
	[sflag:s16] =	ssyncadd.s32 $0xFFFFFF00  }
0x1d: {  	_ =	swait.ge @!p0 [sflag:s22], $0x8000  }
0x1e: {  	[sflag:s22] =	ssyncset.done @!p0 $0x0  }
0x1f: {  	s23 =	rddreg [dreg:$0x4];
	[sflag:s22] =	ssyncadd.s32 @!p0 $0xFFFF8000  }
0x20: {  	[tilespmem:s17], [sflag:$0x2] =	stream.indirect.gather [hbm4b:s4+s12], $0x80, s15, s12, $0xb8;
	[tilespmem:$0x10200] =	vst v63  }
0x21: {  	s31 =	rddreg [dreg:$0x3];
	p0 =	por $0x0, $0x0  }
0x22: {  	[tilespmem:s31], [sflag:$0x2] =	stream.indirect.gather [hbm4b:s4+s12], $0x80, s23, s12, $0xb8;
	[tilespmem:$0x10200] =	vst v63  }
0x23: {  	s22 =	sadd.s32 @!p0 $0x0, s10;
	_ =	swait.ge [sflag:s18], $0x4000  }
0x24: {  	s22 =	sadd.s32 @!p0 $0x200, s22;
	s23 =	sxor.u32 @!p0 $0xFFFFFFFF, s3;
	[sflag:s18] =	ssyncset.done $0x0  }
0x25: {  	s22 =	sand.u32 @!p0 $0x1FFC00, s22;
	s23 =	sand.u32 @!p0 $0x200, s23;
	[sflag:s18] =	ssyncadd.s32 $0xFFFFC000  }
0x26: {  	s22 =	sor.u32 @!p0 s23, s22;
	_ =	swait.ge [sflag:s18], $0x4000  }
0x27: {  	s22 =	sshrl.u32 @!p0 s22, $0x3;
	[sflag:s18] =	ssyncset.done $0x0  }
0x28: {  	s23 =	simm.s32 @!p0 $0x0;
	s22 =	sadd.s32 @!p0 s2, s22;
	[sflag:s18] =	ssyncadd.s32 $0xFFFFC000  }
0x29: {  	[tilespmem:s23], [sflag:$0x3] =	stream.linear.gather @!p0 [hbm4b:s22+s23], $0x100, $0x38;
	[tilespmem:$0x10200] =	vst v63  }
0x2a: {  	s22 =	simm.s32 @p0 $0x2  }
0x2b: {  	[hbm4b:s9+s3] =	stream.linear.scatter [tilespmem:s13], [sflag:$0x5], $0x8000, $0x38;
	[tilespmem:$0x10200] =	vst v63  }
0x2c: {  	_ =	swait.ge @p0 [sflag:s22], $0x4000  }
0x2d: {  	[sflag:s22] =	ssyncset.done @p0 $0x0  }
0x2e: {  	[sflag:s22] =	ssyncadd.s32 @p0 $0xFFFFC000  }
0x2f: {  	_ =	swait.ge @p0 [sflag:s22], $0x4000  }
0x30: {  	[sflag:s22] =	ssyncset.done @p0 $0x0  }
0x31: {  	[sflag:s22] =	ssyncadd.s32 @p0 $0xFFFFC000;
	s22 =	simm.s32 @!p0 $0x3  }
0x32: {  	_ =	swait.ge @!p0 [sflag:s22], $0x100  }
0x33: {  	[sflag:s22] =	ssyncset.done @!p0 $0x0  }
0x34: {  	[sflag:s22] =	ssyncadd.s32 @!p0 $0xFFFFFF00;
	s22 =	simm.s32 @!p0 $0x5  }
0x35: {  	_ =	swait.ge @!p0 [sflag:s22], $0x8000  }
0x36: {  	[sflag:s22] =	ssyncset.done @!p0 $0x0  }
0x37: {  	s24 =	simm.s32 @!p0 $0x200;
	[sflag:s22] =	ssyncadd.s32 @!p0 $0xFFFF8000;
	s22 =	simm.s32 @!p0 $0x80  }
0x38: {  	[tilespmem:s24], [sflag:$0x1] =	stream.indirect.gather @!p0 [hbm4b:s4+s22], $0x80, s23, s22, $0xb8;
	[tilespmem:$0x10200] =	vst v63  }
0x39: {  	s25 =	simm.s32 @!p0 $0x2;
	s24 =	simm.s32 @!p0 $0x4200  }
0x3a: {  	[tilespmem:s24], [sflag:$0x1] =	stream.indirect.gather @!p0 [hbm4b:s4+s22], $0x80, s22, s22, $0xb8;
	[tilespmem:$0x10200] =	vst v63  }
0x3b: {  	_ =	swait.ge @!p0 [sflag:s25], $0x4000  }
0x3c: {  	s22 =	simm.s32 @!p0 $0x300;
	s24 =	sadd.s32 @!p0 $0x300, s10;
	[sflag:s25] =	ssyncset.done @!p0 $0x0  }
0x3d: {  	s24 =	sand.u32 @!p0 $0x1FFC00, s24;
	s22 =	sand.u32 @!p0 $0x300, s22;
	[sflag:s25] =	ssyncadd.s32 @!p0 $0xFFFFC000  }
0x3e: {  	s22 =	sor.u32 @!p0 s22, s24;
	_ =	swait.ge @!p0 [sflag:s25], $0x4000  }
0x3f: {  	s24 =	simm.s32 @!p0 $0x100;
	s22 =	sshrl.u32 @!p0 s22, $0x3;
	[sflag:s25] =	ssyncset.done @!p0 $0x0  }
0x40: {  	s22 =	sadd.s32 @!p0 s2, s22;
	[sflag:s25] =	ssyncadd.s32 @!p0 $0xFFFFC000;
	s25 =	smov.u32 s8  }
0x41: {  	[tilespmem:s24], [sflag:$0x4] =	stream.linear.gather @!p0 [hbm4b:s22+s23], $0x100, $0x38;
	[tilespmem:$0x10200] =	vst v63  }
0x42: {  	s22 =	simm.s32 $0x200;
	s23 =	sadd.s32 $0x2000, s8;
	s24 =	sadd.s32 $0x2000, s9  }
.LBB2_2:
0x43: {  	[hbm4b:s25+s3] =	stream.linear.scatter [tilespmem:s17], [sflag:$0x6], $0x8000, $0x38;
	[tilespmem:$0x10200] =	vst v63  }
0x44: {  	s26 =	smov.u32 s22;
	_ =	swait.ge [sflag:s16], $0x100  }
0x45: {  	p1 =	seq.s32 s26, $0x0;
	[sflag:s16] =	ssyncset.done $0x0  }
0x46: {  	s28 =	simm.s32 @!p1 $0x6;
	[sflag:s16] =	ssyncadd.s32 $0xFFFFFF00  }
0x47: {  	_ =	swait.ge @!p1 [sflag:s28], $0x8000  }
0x48: {  	[sflag:s28] =	ssyncset.done @!p1 $0x0  }
0x49: {  	s29 =	rddreg [dreg:$0x4];
	[sflag:s28] =	ssyncadd.s32 @!p1 $0xFFFF8000  }
0x4a: {  	[tilespmem:s17], [sflag:$0x2] =	stream.indirect.gather [hbm4b:s4+s12], $0x80, s15, s12, $0xb8;
	[tilespmem:$0x10200] =	vst v63  }
0x4b: {  	s31 =	rddreg [dreg:$0x3];
	p1 =	seq.s32 s26, $0x6200  }
0x4c: {  	[tilespmem:s31], [sflag:$0x2] =	stream.indirect.gather [hbm4b:s4+s12], $0x80, s29, s12, $0xb8;
	[tilespmem:$0x10200] =	vst v63  }
0x4d: {  	s28 =	sadd.s32 @!p1 s26, s10;
	_ =	swait.ge [sflag:s18], $0x4000  }
0x4e: {  	s28 =	sadd.s32 @!p1 $0x200, s28;
	s29 =	sxor.u32 @!p1 $0xFFFFFFFF, s26;
	[sflag:s18] =	ssyncset.done $0x0  }
0x4f: {  	s28 =	sand.u32 @!p1 $0x1FFC00, s28;
	s29 =	sand.u32 @!p1 $0x200, s29;
	[sflag:s18] =	ssyncadd.s32 $0xFFFFC000  }
0x50: {  	s28 =	sor.u32 @!p1 s29, s28;
	_ =	swait.ge [sflag:s18], $0x4000  }
0x51: {  	s28 =	sshrl.u32 @!p1 s28, $0x3;
	[sflag:s18] =	ssyncset.done $0x0  }
0x52: {  	s30 =	simm.s32 @!p1 $0x0;
	s28 =	sadd.s32 @!p1 s2, s28;
	[sflag:s18] =	ssyncadd.s32 $0xFFFFC000  }
0x53: {  	[tilespmem:s30], [sflag:$0x3] =	stream.linear.gather @!p1 [hbm4b:s28+s30], $0x100, $0x38;
	[tilespmem:$0x10200] =	vst v63  }
0x54: {  	s28 =	simm.s32 @p1 $0x2  }
0x55: {  	[hbm4b:s24+s3] =	stream.linear.scatter [tilespmem:s13], [sflag:$0x5], $0x8000, $0x38;
	[tilespmem:$0x10200] =	vst v63  }
0x56: {  	_ =	swait.ge @p1 [sflag:s28], $0x4000  }
0x57: {  	[sflag:s28] =	ssyncset.done @p1 $0x0  }
0x58: {  	[sflag:s28] =	ssyncadd.s32 @p1 $0xFFFFC000  }
0x59: {  	_ =	swait.ge @p1 [sflag:s28], $0x4000  }
0x5a: {  	[sflag:s28] =	ssyncset.done @p1 $0x0  }
0x5b: {  	[sflag:s28] =	ssyncadd.s32 @p1 $0xFFFFC000;
	s28 =	simm.s32 @!p1 $0x3  }
0x5c: {  	_ =	swait.ge @!p1 [sflag:s28], $0x100  }
0x5d: {  	s26 =	sadd.s32 @!p1 $0x300, s26;
	[sflag:s28] =	ssyncset.done @!p1 $0x0  }
0x5e: {  	s29 =	sadd.s32 @!p1 s10, s26;
	[sflag:s28] =	ssyncadd.s32 @!p1 $0xFFFFFF00;
	s28 =	simm.s32 @!p1 $0x5  }
0x5f: {  	s26 =	sand.u32 @!p1 $0x300, s26;
	s29 =	sand.u32 @!p1 $0x1FFC00, s29;
	_ =	swait.ge @!p1 [sflag:s28], $0x8000  }
0x60: {  	s26 =	sor.u32 @!p1 s26, s29;
	[sflag:s28] =	ssyncset.done @!p1 $0x0  }
0x61: {  	s29 =	simm.s32 @!p1 $0x200;
	[sflag:s28] =	ssyncadd.s32 @!p1 $0xFFFF8000;
	s28 =	simm.s32 @!p1 $0x80  }
0x62: {  	[tilespmem:s29], [sflag:$0x1] =	stream.indirect.gather @!p1 [hbm4b:s4+s28], $0x80, s30, s28, $0xb8;
	[tilespmem:$0x10200] =	vst v63  }
0x63: {  	s31 =	simm.s32 @!p1 $0x2;
	s29 =	simm.s32 @!p1 $0x4200  }
0x64: {  	[tilespmem:s29], [sflag:$0x1] =	stream.indirect.gather @!p1 [hbm4b:s4+s28], $0x80, s28, s28, $0xb8;
	[tilespmem:$0x10200] =	vst v63  }
0x65: {  	s22 =	sadd.s32 $0x200, s22;
	_ =	swait.ge @!p1 [sflag:s31], $0x4000  }
0x66: {  	p0 =	sne.s32 s22, $0x6400;
	[sflag:s31] =	ssyncset.done @!p1 $0x0  }
.Ltmp0:
0x67: {  	[sflag:s31] =	ssyncadd.s32 @!p1 $0xFFFFC000;
	(pc) =	sbr.rel @p0 .LBB2_2-.Ltmp0, $4  }
0x68: {  	s25 =	smov.u32 s23;
	s26 =	sshrl.u32 @!p1 s26, $0x3;
	_ =	swait.ge @!p1 [sflag:s31], $0x4000  }
0x69: {  	s23 =	sadd.s32 $0x2000, s23;
	s26 =	sadd.s32 @!p1 s2, s26;
	[sflag:s31] =	ssyncset.done @!p1 $0x0  }
0x6a: {  	s24 =	sadd.s32 $0x2000, s24;
	s28 =	simm.s32 @!p1 $0x100;
	[sflag:s31] =	ssyncadd.s32 @!p1 $0xFFFFC000  }
0x6b: {  	[tilespmem:s28], [sflag:$0x4] =	stream.linear.gather @!p1 [hbm4b:s26+s30], $0x100, $0x38;
	[tilespmem:$0x10200] =	vst v63  }
0x6c: {  	[hbm4b:s25+s3] =	stream.linear.scatter [tilespmem:s17], [sflag:$0x6], $0x8000, $0x38;
	[tilespmem:$0x10200] =	vst v63  }
0x6d: {  	s21 =	sadd.s32 $0x1, s21  }
0x6e: {  	_ =	swait.ge [sflag:s19], $0x8000;
	p0 =	sne.s32 s21, s7  }
.Ltmp1:
0x6f: {  	[sflag:s19] =	ssyncset.done $0x0;
	(pc) =	sbr.rel @p0 .LBB2_1-.Ltmp1, $4  }
0x70: {  	[sflag:s19] =	ssyncadd.s32 $0xFFFF8000  }
0x71: {  	_ =	swait.ge [sflag:s20], $0x8000  }
0x72: {  	[sflag:s20] =	ssyncset.done $0x0  }
0x73: {  	[sflag:s20] =	ssyncadd.s32 $0xFFFF8000  }
0x74: {  	_ =	sfence.sel $0x180000  }
0x75: {  	[bflag:$0x0] =	sbarrier.arrive $0xFFFF  }
0x76: {  	p0 =	sne.s32 s0, $0x0;
	_ =	strace $0x90000047  }
0x77: {  	s0 =	sadd.s32 @!p0 $0x100000, s1;
	[bflag:$0x2] =	sbarrier.arrive $0xFFFF  }
0x78: {  	[sflag:s0] =	ssyncadd.tile.s32 @!p0 $0x1;
	_ =	shalt  }
.Lfunc_end2:
_tile_overlayer_lowered:
.L_overlay_start_2:
0x79: {  	(tag) =	ssettag $0x2  }
0x7a: {  	s0 =	rddreg [dreg:$0x0];
	s2 =	stileid.u32  }
0x7b: {  	s1 =	rddreg [dreg:$0x1];
	p0 =	sne.s32 s2, $0x0  }
0x7c: {  	s3 =	rddreg [dreg:$0x2];
	[bflag:$0x3] =	sbarrier.arrive $0xFFFF;
	s2 =	simm.s32 @!p0 $0x1C07  }
0x7d: {  	[timem:s3], [sflag:s2] =	dma.local @!p0 [hbm:s0], s1  }
0x7e: {  	s0 =	simm.s32 @!p0 $0x7  }
0x7f: {  	_ =	swait.ge @!p0 [sflag:s0], s1  }
0x80: {  	s1 =	ssub.s32 @!p0 $0x0, s1;
	[sflag:s0] =	ssyncset.done @!p0 $0x0  }
0x81: {  	[sflag:s0] =	ssyncadd.s32 @!p0 s1  }
0x82: {  	[bflag:$0x3] =	sbarrier.arrive $0xFFFF  }
0x83: {  	_ =	shalt  }

// kernel: sparse-core-data-format-call.cloned.1.call-start
scs
called_computation_lowered:
.L_overlay_start_0:
0x0: {  	s2 =	sld [smem:$0x3FD9]  }
0x1: {  	s3 =	sld [smem:$0x3FFE];
	_ =	sdelay $0x1  }
0x2: {  	s1 =	srdreg.scid  }
0x3: {  	s0 =	sand.u32 $0x1, s1  }
0x4: {  	s18 =	sshll.u32 s0, $0xA;
	s2 =	sadd.s32 s3, s2  }
0x5: {  	s2 =	sadd.s32 s2, s18  }
0x6: {  	[smem:$0x3FC6] =	sst s2  }
0x7: {  	_ = 	snop  }
0x8: {  	s2 =	sld [smem:$0x3FD0];
	(tm) =	ssettm $0x1  }
0x9: {  	s19 =	sld [smem:$0x3FFB];
	_ =	sdelay $0x3  }
0xa: {  	_ =	strace s19  }
0xb: {  	s3 =	sld [smem:$0x3FFC];
	_ =	sdelay $0x3  }
0xc: {  	_ =	strace s3  }
0xd: {  	s3 =	sld [smem:$0x3FFD];
	_ =	sdelay $0x3  }
0xe: {  	_ =	strace s3  }
0xf: {  	_ =	strace $0x8FFFFFFF  }
0x10: {  	s20 =	sld [smem:$0x3FDB];
	_ =	sdelay $0x1  }
0x11: {  	s4 =	simm.s32 $_scs_section_size  }
0x12: {  	s5 =	simm.s32 $_size__tile_overlayer_lowered;
	s6 =	simm.s32 $_tile_overlayer_lowered  }
0x13: {  	s23 =	simm.s32 $0x1BFF;
	s22 =	sshll.u32 s6, $0x1;
	s3 =	sadd.s32 s4, s20  }
0x14: {  	s7 =	simm.s32 $0x0;
	s21 =	sshll.u32 s5, $0x1;
	s5 =	sadd.s32 s22, s3  }
0x15: {  	[timem:s7], [sflag:s23] =	dma.local [hbm:s5], s21  }
0x16: {  	_ =	swait.ge [sflag:s23], s21  }
0x17: {  	s4 =	ssub.s32 $0x0, s21;
	[sflag:s23] =	ssyncset.done $0x0  }
0x18: {  	[sflag:s23] =	ssyncadd.s32 s4;
	_ =	sdelay $0x1  }
0x19: {  	s24 =	simm.s32 $0x1B8B  }
0x1a: {  	_ =	swait.ge [sflag:s24], $0x1  }
0x1b: {  	[sflag:s24] =	ssyncset.done $0x0  }
0x1c: {  	s26 =	simm.s32 $0x1B8E;
	s25 =	sld [smem:$0x3FFE];
	[sflag:s24] =	ssyncadd.s32 $0xFFFFFFFF  }
0x1d: {  	s27 =	simm.s32 $execute0_lowered;
	[smem:$0x3FD2] =	sst s26  }
0x1e: {  	s5 =	sshll.u32 s27, $0x1;
	_ =	strace $0x80000049;
	[dreg:$0x1] =	wrdreg $0xFFFFFFFF  }
0x1f: {  	s28 =	simm.s32 $_size_execute0_lowered;
	s3 =	sadd.s32 s3, s5;
	[dreg:$0x0] =	wrdreg $0x0  }
0x20: {  	s5 =	sshll.u32 s28, $0x1;
	[dreg:$0x2] =	wrdreg s3  }
0x21: {  	[dreg:$0x3] =	wrdreg s5  }
0x22: {  	[dreg:$0x4] =	wrdreg $0xC0  }
0x23: {  	_ =	task [dreg:s7], $0x5FFFF  }
0x24: {  	[dreg:$0x1] =	wrdreg $0xFFFFFFFF  }
0x25: {  	[dreg:$0x0] =	wrdreg $0x60  }
0x26: {  	[dreg:$0x2] =	wrdreg s25  }
0x27: {  	[dreg:$0x3] =	wrdreg s2  }
0x28: {  	[dreg:$0x4] =	wrdreg $0x9  }
0x29: {  	_ =	task.clear_ibuf [dreg:s7], $0x5FFFF;
	_ =	strace $0x90000049  }
0x2a: {  	s29 =	simm.s32 $0x9;
	_ =	strace $0x8000004B  }
0x2b: {  	_ =	swait.ge [sflag:s29], $0x1  }
0x2c: {  	[sflag:s29] =	ssyncadd.s32 $0xFFFFFFFF  }
0x2d: {  	_ =	strace $0x9000004B  }
0x2e: {  	_ =	sfence  }
0x2f: {  	s30 =	sld [smem:$0x0];
	_ =	sdelay $0x2  }
0x30: {  	s31 =	sshll.u32 s1, $0xD;
	s1 =	sshrl.u32 s1, $0x2  }
0x31: {  	s3 =	sand.u32 $0x4000, s31;
	s1 =	sadd.s32 s1, s30  }
0x32: {  	s0 =	sor.u32 s3, s0;
	s1 =	sshll.u32 s1, $0x11  }
0x33: {  	s0 =	sor.u32 s1, s0  }
0x34: {  	s0 =	sadd.s32 $0x8F2B, s0  }
0x35: {  	[sflag:s0] =	ssyncadd.remote.s32 $0x1  }
0x36: {  	_ =	sfence.sel $0xFFFF  }
0x37: {  	[dreg:$0x0] =	wrdreg $0xFFFFFFFF;
	(pc) =	sbr.abs _section_cstart, $3  }
0x38: {  	[dreg:$0x1] =	wrdreg $0xFFFFFFFF  }
0x39: {  	_ =	task.clear_ibuf [dreg:s7], $0x2FFFF;
	_ =	strace $0x9FFFFFFF  }
0x3a: {  	(tm) =	ssettm $0x7FFFFFFF  }
0x3b: {  	_ =	shalt  }
tec
execute0_lowered:
.L_overlay_start_1:
0x0: {  	(tag) =	ssettag $0x1  }
0x1: {  	s0 =	srdreg.scid  }
0x2: {  	s1 =	sshll.u32 s0, $0x4  }
0x3: {  	s0 =	stileid.u32;
	s1 =	sand.u32 $0x10, s1  }
0x4: {  	s1 =	sor.u32 s0, s1  }
0x5: {  	s6 =	rddreg [dreg:$0x0];
	s4 =	simm.s32 $0x1;
	s2 =	sshll.u32 s1, $0x7  }
0x6: {  	s7 =	simm.s32 $0x2;
	s12 =	simm.s32 $0x0;
	s1 =	ssub.s32 $0x1000, s2  }
0x7: {  	s8 =	simm.s32 $0x8000;
	s13 =	simm.s32 $0x0;
	s3 =	sand.u32 $0xF80, s1  }
0x8: {  	s9 =	simm.s32 $0x0;
	s5 =	sshrl.u32 s1, $0xC;
	p0 =	sne.s32 s3, $0x0  }
.Ltmp0:
0x9: {  	s1 =	rddreg [dreg:$0x2];
	s4 =	simm.s32 @!p0 $0x0;
	(pc) =	sbr.rel .LBB1_1-.Ltmp0, $4  }
0xa: {  	s11 =	simm.s32 $0x0;
	s3 =	rddreg [dreg:$0x1];
	s5 =	sadd.s32 s4, s5  }
0xb: {  	_ =	strace $0x8000004A;
	s4 =	simm.s32 $0x1;
	s5 =	smul.u32 $0xC8, s5  }
0xc: {  	s6 =	sadd.s32 $0xF42C00, s6;
	s10 =	smov.u32 s2;
	[sflag:s4] =	ssyncpa.u1 $0x0  }
0xd: {  	p0 =	por $0x0, $0x0;
	[sflag:s7] =	ssyncpa.u1 $0x0;
	s7 =	sor.u32 $0x1, s5  }
.LBB1_4:
0xe: {  	s16 =	sshll.u32 s13, $0x3;
	s17 =	sand.u32 $0x78, s13  }
0xf: {  	s30 =	sand.u32 $0x7E00, s13;
	s12 =	sshll.u32 s12, $0xF;
	s16 =	sand.u32 $0xC00, s16  }
0x10: {  	[tilespmem:s15+$0x810 ss:$0x81] =	vst.msk $0xffff, v2;
	s31 =	sand.u32 $0x7, s13;
	s16 =	sor.u32 s17, s16;
	s17 =	sadd.s32 s3, s30  }
0x11: {  	[tilespmem:s15+$0x1020 ss:$0x81] =	vst.msk $0xffff, v0;
	s13 =	sshll.u32 s31, $0x12;
	s12 =	sadd.s32 s12, s17;
	s16 =	sshrl.u32 s16, $0x3  }
0x12: {  	[tilespmem:s15+$0x0 ss:$0x81] =	vst.msk $0xffff, v1;
	s13 =	sor.u32 $0x400, s13;
	s12 =	sadd.s32 s16, s12  }
0x13: {  	[hbm4b:s12+s13] =	stream.strided.scatter [tilespmem:s14], [sflag:$0x2], $0x2000, s8, s13, $0x20;
	[tilespmem:$0x8080] =	vst v63  }
.LBB1_5:
0x14: {  	s14 =	sadd.s32 $0x1, s9  }
0x15: {  	s12 =	sadd.s32 $0x1000, s10;
	s16 =	smov.u32 s10;
	p2 =	sgt.s32 s14, $0xC7  }
0x16: {  	s16 =	smov.u32 @p2 s12  }
0x17: {  	s14 =	simm.s32 @p2 $0x0;
	p2 =	sgt.s32 s16, $0xFFF  }
0x18: {  	s16 =	smov.u32 @p2 s2;
	p2 =	sne.s32 s11, s7  }
.Ltmp1:
0x19: {  	p1 =	slt.u32 s11, $0x2;
	(pc) =	sbr.rel @!p2 .LBB1_6-.Ltmp1, $4  }
0x1a: {  	s15 =	simm.s32 @!p1 $0x2  }
0x1b: {  	s13 =	smov.u32 s10;
	p0 =	por !p0, !p0;
	_ =	swait.ge @!p1 [sflag:s15], $0x2000  }
0x1c: {  	s12 =	smov.u32 s9;
	[sflag:s15] =	ssyncset.done @!p1 $0x0;
	s9 =	smov.u32 s14  }
0x1d: {  	s11 =	sadd.s32 $0x1, s11;
	[sflag:s15] =	ssyncadd.s32 @!p1 $0xFFFFE000;
	s10 =	smov.u32 s16  }
.LBB1_1:
0x1e: {  	p1 =	sge.u32 s11, s5  }
0x1f: {  	s14 =	sand.u32 @!p1 $0x1FFFFFF, s9  }
0x20: {  	s15 =	smulhi.u32 @!p1 $0x147AE15, s14;
	_ =	sdelay $0x1  }
0x21: {  	s15 =	smul.u32 @!p1 $0xC8, s15  }
0x22: {  	s16 =	sxor.u32 @!p1 $0xFFFFFFFF, s11;
	s17 =	smul.u32 @!p1 $0xC80, s10  }
0x23: {  	s31 =	sadd.s32 $0xFFFFFFFF, s11;
	s16 =	sshll.u32 @!p1 s16, $0xD;
	s14 =	ssub.s32 @!p1 s14, s15  }
0x24: {  	s15 =	sand.u32 @!p1 $0x2000, s16;
	s16 =	sadd.s32 @!p1 s6, s17;
	s14 =	sshll.u32 @!p1 s14, $0x4  }
0x25: {  	s17 =	simm.s32 @!p1 $0x6400;
	s14 =	sadd.s32 @!p1 s14, s16;
	s16 =	simm.s32 @!p1 $0x40  }
0x26: {  	[tilespmem:s15], [sflag:$0x1] =	stream.strided.gather @!p1 [hbm4b:s14+s16], $0x2000, s17, s16, $0x38;
	[tilespmem:$0x8080] =	vst v63  }
0x27: {  	p1 =	sge.u32 s31, s5  }
.Ltmp2:
0x28: {  	_ = 	snop;
	(pc) =	sbr.rel @p1 .LBB1_5-.Ltmp2, $1  }
0x29: {  	_ =	sdelay $0x3  }
0x2a: {  	s14 =	simm.s32 $0x1  }
0x2b: {  	_ =	swait.ge [sflag:s4], $0x2000;
	s14 =	simm.s32 @!p0 $0x0  }
0x2c: {  	[sflag:s4] =	ssyncset.done $0x0;
	s15 =	sshll.u32 s14, $0xD  }
0x2d: {  	[sflag:s4] =	ssyncadd.s32 $0xFFFFE000;
	s18 =	sor.u32 $0x20, s15  }
0x2e: {  	s14 =	smul.u32 $0x8100, s14;
	v3 =	vld [tilespmem:s18+$0x10]  }
0x2f: {  	s30 =	sand.u32 $0x1, s11;
	v2 =	vld [tilespmem:s18+$0xFFFFFFF0]  }
0x30: {  	s15 =	smul.u32 $0x8100, s30;
	s14 =	sshrl.u32 s14, $0x2;
	v0 =	vld [tilespmem:s18+$0x0]  }
0x31: {  	v1 =	vld [tilespmem:s18+$0xFFFFFFE0];
	s16 =	sor.u32 $0x4000, s14  }
0x32: {  	s31 =	sshrl.u32 s15, $0x2;
	s15 =	sadd.s32 $0x0, s16  }
0x33: {  	s17 =	simm.s32 $0x4;
	s18 =	sadd.s32 $0x40, s18;
	s14 =	sor.u32 $0x4000, s31;
	[tilespmem:s15+$0x1830 ss:$0x81] =	vst.msk $0xffff, v3  }
.LBB1_3:
0x34: {  	v3 =	vld [tilespmem:s18+$0x10];
	p1 =	sne.s32 s17, $0x1FC;
	[tilespmem:s15+$0x810 ss:$0x81] =	vst.msk $0xffff, v2;
	s19 =	smov.u32 s17;
	s17 =	sadd.s32 $0x4, s17  }
.Ltmp3:
0x35: {  	v2 =	vld [tilespmem:s18+$0xFFFFFFF0];
	[tilespmem:s15+$0x1020 ss:$0x81] =	vst.msk $0xffff, v0;
	(pc) =	sbr.rel @p1 .LBB1_3-.Ltmp3, $4  }
0x36: {  	v0 =	vld [tilespmem:s18+$0x0];
	[tilespmem:s15+$0x0 ss:$0x81] =	vst.msk $0xffff, v1  }
0x37: {  	s15 =	sshra.s32 s19, $0x2;
	v1 =	vld [tilespmem:s18+$0xFFFFFFE0]  }
0x38: {  	s15 =	sadd.s32 s15, s16  }
0x39: {  	s18 =	sadd.s32 $0x40, s18;
	[tilespmem:s15+$0x1830 ss:$0x81] =	vst.msk $0xffff, v3  }
.Ltmp4:
0x3a: {  	_ = 	snop;
	(pc) =	sbr.rel .LBB1_4-.Ltmp4, $1  }
0x3b: {  	_ =	sdelay $0x3  }
.LBB1_6:
0x3c: {  	_ =	sfence.sel $0x180000  }
0x3d: {  	s2 =	simm.s32 $0x1;
	[bflag:$0x0] =	sbarrier.arrive $0xFFFF  }
0x3e: {  	s31 =	simm.s32 $0x2;
	[sflag:s2] =	ssyncpa.u1 $0x1  }
0x3f: {  	[sflag:s31] =	ssyncpa.u1 $0x1  }
0x40: {  	p0 =	sne.s32 s0, $0x0;
	_ =	strace $0x9000004A  }
0x41: {  	s0 =	sadd.s32 @!p0 $0x100000, s1;
	[bflag:$0x2] =	sbarrier.arrive $0xFFFF  }
0x42: {  	[sflag:s0] =	ssyncadd.tile.s32 @!p0 $0x1;
	_ =	shalt  }
.Lfunc_end1:
_tile_overlayer_lowered:
.L_overlay_start_2:
0x43: {  	(tag) =	ssettag $0x2  }
0x44: {  	s0 =	rddreg [dreg:$0x0];
	s2 =	stileid.u32  }
0x45: {  	s1 =	rddreg [dreg:$0x1];
	p0 =	sne.s32 s2, $0x0  }
0x46: {  	s3 =	rddreg [dreg:$0x2];
	[bflag:$0x3] =	sbarrier.arrive $0xFFFF;
	s2 =	simm.s32 @!p0 $0x1C01  }
0x47: {  	[timem:s3], [sflag:s2] =	dma.local @!p0 [hbm:s0], s1  }
0x48: {  	s0 =	simm.s32 @!p0 $0x1  }
0x49: {  	_ =	swait.ge @!p0 [sflag:s0], s1  }
0x4a: {  	s1 =	ssub.s32 @!p0 $0x0, s1;
	[sflag:s0] =	ssyncset.done @!p0 $0x0  }
0x4b: {  	[sflag:s0] =	ssyncadd.s32 @!p0 s1  }
0x4c: {  	[bflag:$0x3] =	sbarrier.arrive $0xFFFF  }
0x4d: {  	_ =	shalt  }

</sc_bundles>
